<compile_context>
chip_gen: v7x
topology: tpu7x:2x2x1
jax: 0.10.2.dev20260603
libtpu: 0.0.44.dev20260713+nightly
codegen_flags: <defaults>
</compile_context>

<pallas_src>
import functools

import jax
import jax.numpy as jnp
from jax import lax
from jax.experimental import pallas as pl
from jax.experimental.pallas import tpu as pltpu
from jax.experimental.pallas import tpu_sc as plsc

_BATCH = 4096
_HIST = 200
_D = 64
_NW = 32
_BB = _BATCH // _NW
_TS = 129

_mesh = plsc.VectorSubcoreMesh(core_axis_name="c", subcore_axis_name="s")


@functools.partial(
    pl.kernel,
    mesh=_mesh,
    out_type=jax.ShapeDtypeStruct((_HIST, _D // 8, _NW, 8, _BB), jnp.float32),
    scratch_types=[
        pltpu.VMEM((_HIST, _BB), jnp.int32),
        pltpu.VMEM((_BB, _D), jnp.float32),
        pltpu.VMEM((_BB, _D), jnp.float32),
        pltpu.VMEM((_D, _TS), jnp.float32),
        pltpu.VMEM((_D, _TS), jnp.float32),
        pltpu.SemaphoreType.DMA,
        pltpu.SemaphoreType.DMA,
        pltpu.SemaphoreType.DMA,
        pltpu.SemaphoreType.DMA,
    ],
    compiler_params=pltpu.CompilerParams(use_tc_tiling_on_sc=False,
                                         needs_layout_passes=False),
)
def _gather_kernel(xt_hbm, table_hbm, out_hbm, idx_all, rows0, rows1,
                   tr0, tr1, gs0, gs1, ss0, ss1):
    wid = lax.axis_index("s") * 2 + lax.axis_index("c")
    rows = (rows0, rows1)
    trs = (tr0, tr1)
    gs = (gs0, gs1)
    ss = (ss0, ss1)

    pltpu.sync_copy(xt_hbm.at[:, pl.ds(wid * _BB, _BB)], idx_all)

    iota16 = lax.iota(jnp.int32, 16)

    def g_copy(h, b):
        return pltpu.make_async_copy(
            table_hbm.at[idx_all.at[h]], rows[b], gs[b])

    def s_copies(h, b):
        return [
            pltpu.make_async_copy(
                trs[b].at[pl.ds(te * 8, 8), pl.ds(0, _BB)],
                out_hbm.at[h, te, wid], ss[b])
            for te in range(_D // 8)
        ]

    def transpose(b):
        rbuf = rows[b]
        tbuf = trs[b]

        @plsc.parallel_loop(0, _BB, unroll=8)
        def _bi(bi):
            cid = jnp.full((16,), 0, jnp.int32) + bi
            for j in range(_D // 16):
                vec = rbuf[bi, pl.ds(j * 16, 16)]
                plsc.store_scatter(tbuf, [iota16 + j * 16, cid], vec)

    g_copy(0, 0).start()

    @pl.loop(0, _HIST // 2)
    def _grp(gp):
        for b in range(2):
            h = gp * 2 + b

            @pl.when(h + 1 < _HIST)
            def _():
                g_copy(h + 1, 1 - b).start()

            g_copy(h, b).wait()

            @pl.when(h >= 2)
            def _():
                for c in s_copies(h - 2, b):
                    c.wait()

            transpose(b)
            for c in s_copies(h, b):
                c.start()

    for b, h in ((0, _HIST - 2), (1, _HIST - 1)):
        for c in s_copies(h, b):
            c.wait()


def kernel(x, table):
    xt = x.T.astype(jnp.int32)
    out5 = _gather_kernel(xt, table)
    return out5.transpose((2, 4, 0, 1, 3)).reshape(_BATCH, _HIST, _D)

# --- scband reference (transcript-rebuilt; emitter-appended) ---
"""Pipeline reference for scband-token-embeddings-17935783428733 (READ-ONLY COPY).

The authoritative reference and input builder live on the scoring server;
editing this copy changes nothing except your own understanding.
"""

import jax, jax.numpy as jnp
import numpy as np

VOCAB = 1000000
EMB = 64
BATCH = 4096
HIST = 200

def setup_inputs(seed: int = 0) -> dict:
    key = jax.random.key(seed)
    k1, k2 = jax.random.split(key)
    x = jax.random.randint(k1, (BATCH, HIST), 0, VOCAB, dtype=jnp.int64 if jax.config.jax_enable_x64 else jnp.int32)
    table = jax.random.normal(k2, (VOCAB, EMB), dtype=jnp.float32)
    return {"x": x, "table": table}

def reference(x, table):
    # nn.Embedding forward: gather rows of the table by index
    return jnp.take(table, x, axis=0)

if __name__ == "__main__":
    import jax
    _d = setup_inputs()
    print(jax.jit(kernel)(*tuple(_d.values())))

</pallas_src>

<mosaic_0001>
#map = affine_map<(d0, d1) -> (0, 0)>
#map1 = affine_map<(d0, d1) -> (0, 0, 0, 0, 0)>
module attributes {stable_mosaic.version = 14 : i64} {
  func.func @_gather_kernel(%arg0: i32, %arg1: i32, %arg2: memref<200x4096xi32, #tpu.memory_space<hbm>>, %arg3: memref<1000000x64xf32, #tpu.memory_space<hbm>>, %arg4: memref<200x8x32x8x128xf32, #tpu.memory_space<hbm>>, %arg5: memref<200x128xi32, #tpu.memory_space<vmem>>, %arg6: memref<128x64xf32, #tpu.memory_space<vmem>>, %arg7: memref<128x64xf32, #tpu.memory_space<vmem>>, %arg8: memref<64x129xf32, #tpu.memory_space<vmem>>, %arg9: memref<64x129xf32, #tpu.memory_space<vmem>>, %arg10: memref<!tpu.dma_semaphore, #tpu.memory_space<semaphore_mem>>, %arg11: memref<!tpu.dma_semaphore, #tpu.memory_space<semaphore_mem>>, %arg12: memref<!tpu.dma_semaphore, #tpu.memory_space<semaphore_mem>>, %arg13: memref<!tpu.dma_semaphore, #tpu.memory_space<semaphore_mem>>) attributes {dimension_semantics = [#tpu.dimension_semantics<core_parallel>, #tpu.dimension_semantics<subcore_parallel>], iteration_bounds = array<i64: 2, 16>, scalar_prefetch = 0 : i64, scratch_operands = 9 : i64, tpu.core_type = #tpu.core_type<sc_vector_subcore>, window_params = [{transform_indices = #map}, {transform_indices = #map}, {transform_indices = #map1}]} {
    %mul3A = arith.constant 2 : i32
    %mul3A_0 = arith.muli %arg1, %mul3A : i32
    %add3A = arith.addi %mul3A_0, %arg0 : i32
    %mul3A_1 = arith.constant 128 : i32
    %mul3A_2 = arith.muli %add3A, %mul3A_1 : i32
    "tpu.region"() ({
      %run_scoped3A = tpu.sem_alloc : memref<!tpu.dma_semaphore, #tpu.memory_space<semaphore_mem>>
      %dma_start3A_268 = arith.constant 0 : i32
      %dma_start3A_269 = tpu.memref_slice %arg2[%dma_start3A_268, %mul3A_2] : memref<200x4096xi32, #tpu.memory_space<hbm>> -> memref<200x128xi32, #tpu.memory_space<hbm>>
      %dma_start3A_270 = arith.constant 0 : i32
      %dma_start3A_271 = tpu.memref_slice %arg2[%dma_start3A_270, %mul3A_2] : memref<200x4096xi32, #tpu.memory_space<hbm>> -> memref<200x128xi32, #tpu.memory_space<hbm>>
      tpu.enqueue_dma source(%dma_start3A_271 : memref<200x128xi32, #tpu.memory_space<hbm>>) target(%arg5 : memref<200x128xi32, #tpu.memory_space<vmem>>) target_semaphore(%run_scoped3A : memref<!tpu.dma_semaphore, #tpu.memory_space<semaphore_mem>>)
      %dma_wait3A_272 = arith.constant 0 : i32
      %dma_wait3A_273 = tpu.memref_slice %arg2[%dma_wait3A_272, %mul3A_2] : memref<200x4096xi32, #tpu.memory_space<hbm>> -> memref<200x128xi32, #tpu.memory_space<hbm>>
      %dma_wait3A_274 = arith.constant 0 : i32
      %dma_wait3A_275 = tpu.memref_slice %arg2[%dma_wait3A_274, %mul3A_2] : memref<200x4096xi32, #tpu.memory_space<hbm>> -> memref<200x128xi32, #tpu.memory_space<hbm>>
      tpu.wait_dma2 semaphore(%run_scoped3A : memref<!tpu.dma_semaphore, #tpu.memory_space<semaphore_mem>>) src(%dma_wait3A_275 : memref<200x128xi32, #tpu.memory_space<hbm>>) dst(%arg5 : memref<200x128xi32, #tpu.memory_space<vmem>>)
      tpu.yield
    }) : () -> ()
    %iota3A = tpu.iota {dimensions = array<i32: 0>} : vector<16xi32>
    %dma_start3A = arith.constant 0 : i32
    %dma_start3A_3 = arith.constant 0 : i32
    %dma_start3A_4 = tpu.memref_slice %arg5[%dma_start3A, %dma_start3A_3] : memref<200x128xi32, #tpu.memory_space<vmem>> -> memref<1x128xi32, #tpu.memory_space<vmem>>
    %dma_start3A_5 = tpu.memref_squeeze %dma_start3A_4 : memref<1x128xi32, #tpu.memory_space<vmem>> -> memref<128xi32, #tpu.memory_space<vmem>>
    %dma_start3A_6 = arith.constant 0 : i32
    %dma_start3A_7 = arith.constant 0 : i32
    %dma_start3A_8 = tpu.memref_slice %arg3[%dma_start3A_6, %dma_start3A_7] : memref<1000000x64xf32, #tpu.memory_space<hbm>> -> memref<1000000x64xf32, #tpu.memory_space<hbm>>
    tpu.enqueue_indirect_dma source(%dma_start3A_8 : memref<1000000x64xf32, #tpu.memory_space<hbm>>) target(%arg6 : memref<128x64xf32, #tpu.memory_space<vmem>>) offsets(%dma_start3A_5 : memref<128xi32, #tpu.memory_space<vmem>>) semaphore(%arg10 : memref<!tpu.dma_semaphore, #tpu.memory_space<semaphore_mem>>)
    %scan3A = arith.constant 0 : i32
    %scan3A_9 = arith.constant 100 : i32
    %scan3A_10 = arith.addi %scan3A, %scan3A_9 : i32
    %scan3A_11 = arith.constant 1 : i32
    scf.for %scan3A_268 = %scan3A to %scan3A_10 step %scan3A_11  : i32 {
      %mul3A_269 = arith.constant 1 : i32
      %mul3A_270 = arith.muli %scan3A_268, %mul3A_269 : i32
      %add3A_271 = arith.constant 0 : i32
      %add3A_272 = arith.addi %add3A_271, %mul3A_270 : i32
      %mul3A_273 = arith.constant 2 : i32
      %mul3A_274 = arith.muli %add3A_272, %mul3A_273 : i32
      %add3A_275 = arith.constant 0 : i32
      %add3A_276 = arith.addi %mul3A_274, %add3A_275 : i32
      %add3A_277 = arith.constant 1 : i32
      %add3A_278 = arith.addi %add3A_276, %add3A_277 : i32
      %lt3A = arith.constant 200 : i32
      %lt3A_279 = arith.cmpi slt, %add3A_278, %lt3A : i32
      %convert_element_type3A = arith.extui %lt3A_279 : i1 to i32
      %cond3A = arith.constant 0 : i32
      %cond3A_280 = arith.cmpi ne, %convert_element_type3A, %cond3A : i32
      scf.if %cond3A_280 {
        %add3A_558 = arith.constant 1 : i32
        %add3A_559 = arith.addi %add3A_276, %add3A_558 : i32
        %dma_start3A_560 = arith.constant 0 : i32
        %dma_start3A_561 = tpu.memref_slice %arg5[%add3A_559, %dma_start3A_560] : memref<200x128xi32, #tpu.memory_space<vmem>> -> memref<1x128xi32, #tpu.memory_space<vmem>>
        %dma_start3A_562 = tpu.memref_squeeze %dma_start3A_561 : memref<1x128xi32, #tpu.memory_space<vmem>> -> memref<128xi32, #tpu.memory_space<vmem>>
        %dma_start3A_563 = arith.constant 0 : i32
        %dma_start3A_564 = arith.constant 0 : i32
        %dma_start3A_565 = tpu.memref_slice %arg3[%dma_start3A_563, %dma_start3A_564] : memref<1000000x64xf32, #tpu.memory_space<hbm>> -> memref<1000000x64xf32, #tpu.memory_space<hbm>>
        tpu.enqueue_indirect_dma source(%dma_start3A_565 : memref<1000000x64xf32, #tpu.memory_space<hbm>>) target(%arg7 : memref<128x64xf32, #tpu.memory_space<vmem>>) offsets(%dma_start3A_562 : memref<128xi32, #tpu.memory_space<vmem>>) semaphore(%arg11 : memref<!tpu.dma_semaphore, #tpu.memory_space<semaphore_mem>>)
      } else {
      }
      %dma_wait3A_281 = arith.constant 0 : i32
      %dma_wait3A_282 = tpu.memref_slice %arg5[%add3A_276, %dma_wait3A_281] : memref<200x128xi32, #tpu.memory_space<vmem>> -> memref<1x128xi32, #tpu.memory_space<vmem>>
      %dma_wait3A_283 = tpu.memref_squeeze %dma_wait3A_282 : memref<1x128xi32, #tpu.memory_space<vmem>> -> memref<128xi32, #tpu.memory_space<vmem>>
      %dma_wait3A_284 = arith.constant 0 : i32
      %dma_wait3A_285 = arith.constant 0 : i32
      %dma_wait3A_286 = tpu.memref_slice %arg3[%dma_wait3A_284, %dma_wait3A_285] : memref<1000000x64xf32, #tpu.memory_space<hbm>> -> memref<1000000x64xf32, #tpu.memory_space<hbm>>
      tpu.wait_indirect_dma semaphore(%arg10 : memref<!tpu.dma_semaphore, #tpu.memory_space<semaphore_mem>>) src(%dma_wait3A_286 : memref<1000000x64xf32, #tpu.memory_space<hbm>>) dst(%arg6 : memref<128x64xf32, #tpu.memory_space<vmem>>)
      %ge3A = arith.constant 2 : i32
      %ge3A_287 = arith.cmpi sge, %add3A_276, %ge3A : i32
      %convert_element_type3A_288 = arith.extui %ge3A_287 : i1 to i32
      %cond3A_289 = arith.constant 0 : i32
      %cond3A_290 = arith.cmpi ne, %convert_element_type3A_288, %cond3A_289 : i32
      scf.if %cond3A_290 {
        %sub3A = arith.constant 2 : i32
        %sub3A_558 = arith.subi %add3A_276, %sub3A : i32
        %dma_wait3A_559 = arith.constant 0 : i32
        %dma_wait3A_560 = arith.constant 0 : i32
        %dma_wait3A_561 = arith.constant 0 : i32
        %dma_wait3A_562 = tpu.memref_slice %arg8[%dma_wait3A_560, %dma_wait3A_561] : memref<64x129xf32, #tpu.memory_space<vmem>> -> memref<8x128xf32, #tpu.memory_space<vmem>>
        %dma_wait3A_563 = arith.constant 0 : i32
        %dma_wait3A_564 = arith.constant 0 : i32
        %dma_wait3A_565 = tpu.memref_slice %arg4[%sub3A_558, %dma_wait3A_559, %add3A, %dma_wait3A_563, %dma_wait3A_564] : memref<200x8x32x8x128xf32, #tpu.memory_space<hbm>> -> memref<1x1x1x8x128xf32, #tpu.memory_space<hbm>>
        %dma_wait3A_566 = tpu.memref_squeeze %dma_wait3A_565 : memref<1x1x1x8x128xf32, #tpu.memory_space<hbm>> -> memref<8x128xf32, #tpu.memory_space<hbm>>
        %dma_wait3A_567 = arith.constant 0 : i32
        %dma_wait3A_568 = arith.constant 0 : i32
        %dma_wait3A_569 = tpu.memref_slice %arg4[%sub3A_558, %dma_wait3A_559, %add3A, %dma_wait3A_567, %dma_wait3A_568] : memref<200x8x32x8x128xf32, #tpu.memory_space<hbm>> -> memref<1x1x1x8x128xf32, #tpu.memory_space<hbm>>
        %dma_wait3A_570 = tpu.memref_squeeze %dma_wait3A_569 : memref<1x1x1x8x128xf32, #tpu.memory_space<hbm>> -> memref<8x128xf32, #tpu.memory_space<hbm>>
        %dma_wait3A_571 = arith.constant 0 : i32
        %dma_wait3A_572 = arith.constant 0 : i32
        %dma_wait3A_573 = tpu.memref_slice %arg8[%dma_wait3A_571, %dma_wait3A_572] : memref<64x129xf32, #tpu.memory_space<vmem>> -> memref<8x128xf32, #tpu.memory_space<vmem>>
        tpu.wait_dma2 semaphore(%arg12 : memref<!tpu.dma_semaphore, #tpu.memory_space<semaphore_mem>>) src(%dma_wait3A_573 : memref<8x128xf32, #tpu.memory_space<vmem>>) dst(%dma_wait3A_570 : memref<8x128xf32, #tpu.memory_space<hbm>>)
        %dma_wait3A_574 = arith.constant 1 : i32
        %dma_wait3A_575 = arith.constant 8 : i32
        %dma_wait3A_576 = arith.constant 0 : i32
        %dma_wait3A_577 = tpu.memref_slice %arg8[%dma_wait3A_575, %dma_wait3A_576] : memref<64x129xf32, #tpu.memory_space<vmem>> -> memref<8x128xf32, #tpu.memory_space<vmem>>
        %dma_wait3A_578 = arith.constant 0 : i32
        %dma_wait3A_579 = arith.constant 0 : i32
        %dma_wait3A_580 = tpu.memref_slice %arg4[%sub3A_558, %dma_wait3A_574, %add3A, %dma_wait3A_578, %dma_wait3A_579] : memref<200x8x32x8x128xf32, #tpu.memory_space<hbm>> -> memref<1x1x1x8x128xf32, #tpu.memory_space<hbm>>
        %dma_wait3A_581 = tpu.memref_squeeze %dma_wait3A_580 : memref<1x1x1x8x128xf32, #tpu.memory_space<hbm>> -> memref<8x128xf32, #tpu.memory_space<hbm>>
        %dma_wait3A_582 = arith.constant 0 : i32
        %dma_wait3A_583 = arith.constant 0 : i32
        %dma_wait3A_584 = tpu.memref_slice %arg4[%sub3A_558, %dma_wait3A_574, %add3A, %dma_wait3A_582, %dma_wait3A_583] : memref<200x8x32x8x128xf32, #tpu.memory_space<hbm>> -> memref<1x1x1x8x128xf32, #tpu.memory_space<hbm>>
        %dma_wait3A_585 = tpu.memref_squeeze %dma_wait3A_584 : memref<1x1x1x8x128xf32, #tpu.memory_space<hbm>> -> memref<8x128xf32, #tpu.memory_space<hbm>>
        %dma_wait3A_586 = arith.constant 8 : i32
        %dma_wait3A_587 = arith.constant 0 : i32
        %dma_wait3A_588 = tpu.memref_slice %arg8[%dma_wait3A_586, %dma_wait3A_587] : memref<64x129xf32, #tpu.memory_space<vmem>> -> memref<8x128xf32, #tpu.memory_space<vmem>>
        tpu.wait_dma2 semaphore(%arg12 : memref<!tpu.dma_semaphore, #tpu.memory_space<semaphore_mem>>) src(%dma_wait3A_588 : memref<8x128xf32, #tpu.memory_space<vmem>>) dst(%dma_wait3A_585 : memref<8x128xf32, #tpu.memory_space<hbm>>)
        %dma_wait3A_589 = arith.constant 2 : i32
        %dma_wait3A_590 = arith.constant 16 : i32
        %dma_wait3A_591 = arith.constant 0 : i32
        %dma_wait3A_592 = tpu.memref_slice %arg8[%dma_wait3A_590, %dma_wait3A_591] : memref<64x129xf32, #tpu.memory_space<vmem>> -> memref<8x128xf32, #tpu.memory_space<vmem>>
        %dma_wait3A_593 = arith.constant 0 : i32
        %dma_wait3A_594 = arith.constant 0 : i32
        %dma_wait3A_595 = tpu.memref_slice %arg4[%sub3A_558, %dma_wait3A_589, %add3A, %dma_wait3A_593, %dma_wait3A_594] : memref<200x8x32x8x128xf32, #tpu.memory_space<hbm>> -> memref<1x1x1x8x128xf32, #tpu.memory_space<hbm>>
        %dma_wait3A_596 = tpu.memref_squeeze %dma_wait3A_595 : memref<1x1x1x8x128xf32, #tpu.memory_space<hbm>> -> memref<8x128xf32, #tpu.memory_space<hbm>>
        %dma_wait3A_597 = arith.constant 0 : i32
        %dma_wait3A_598 = arith.constant 0 : i32
        %dma_wait3A_599 = tpu.memref_slice %arg4[%sub3A_558, %dma_wait3A_589, %add3A, %dma_wait3A_597, %dma_wait3A_598] : memref<200x8x32x8x128xf32, #tpu.memory_space<hbm>> -> memref<1x1x1x8x128xf32, #tpu.memory_space<hbm>>
        %dma_wait3A_600 = tpu.memref_squeeze %dma_wait3A_599 : memref<1x1x1x8x128xf32, #tpu.memory_space<hbm>> -> memref<8x128xf32, #tpu.memory_space<hbm>>
        %dma_wait3A_601 = arith.constant 16 : i32
        %dma_wait3A_602 = arith.constant 0 : i32
        %dma_wait3A_603 = tpu.memref_slice %arg8[%dma_wait3A_601, %dma_wait3A_602] : memref<64x129xf32, #tpu.memory_space<vmem>> -> memref<8x128xf32, #tpu.memory_space<vmem>>
        tpu.wait_dma2 semaphore(%arg12 : memref<!tpu.dma_semaphore, #tpu.memory_space<semaphore_mem>>) src(%dma_wait3A_603 : memref<8x128xf32, #tpu.memory_space<vmem>>) dst(%dma_wait3A_600 : memref<8x128xf32, #tpu.memory_space<hbm>>)
        %dma_wait3A_604 = arith.constant 3 : i32
        %dma_wait3A_605 = arith.constant 24 : i32
        %dma_wait3A_606 = arith.constant 0 : i32
        %dma_wait3A_607 = tpu.memref_slice %arg8[%dma_wait3A_605, %dma_wait3A_606] : memref<64x129xf32, #tpu.memory_space<vmem>> -> memref<8x128xf32, #tpu.memory_space<vmem>>
        %dma_wait3A_608 = arith.constant 0 : i32
        %dma_wait3A_609 = arith.constant 0 : i32
        %dma_wait3A_610 = tpu.memref_slice %arg4[%sub3A_558, %dma_wait3A_604, %add3A, %dma_wait3A_608, %dma_wait3A_609] : memref<200x8x32x8x128xf32, #tpu.memory_space<hbm>> -> memref<1x1x1x8x128xf32, #tpu.memory_space<hbm>>
        %dma_wait3A_611 = tpu.memref_squeeze %dma_wait3A_610 : memref<1x1x1x8x128xf32, #tpu.memory_space<hbm>> -> memref<8x128xf32, #tpu.memory_space<hbm>>
        %dma_wait3A_612 = arith.constant 0 : i32
        %dma_wait3A_613 = arith.constant 0 : i32
        %dma_wait3A_614 = tpu.memref_slice %arg4[%sub3A_558, %dma_wait3A_604, %add3A, %dma_wait3A_612, %dma_wait3A_613] : memref<200x8x32x8x128xf32, #tpu.memory_space<hbm>> -> memref<1x1x1x8x128xf32, #tpu.memory_space<hbm>>
        %dma_wait3A_615 = tpu.memref_squeeze %dma_wait3A_614 : memref<1x1x1x8x128xf32, #tpu.memory_space<hbm>> -> memref<8x128xf32, #tpu.memory_space<hbm>>
        %dma_wait3A_616 = arith.constant 24 : i32
        %dma_wait3A_617 = arith.constant 0 : i32
        %dma_wait3A_618 = tpu.memref_slice %arg8[%dma_wait3A_616, %dma_wait3A_617] : memref<64x129xf32, #tpu.memory_space<vmem>> -> memref<8x128xf32, #tpu.memory_space<vmem>>
        tpu.wait_dma2 semaphore(%arg12 : memref<!tpu.dma_semaphore, #tpu.memory_space<semaphore_mem>>) src(%dma_wait3A_618 : memref<8x128xf32, #tpu.memory_space<vmem>>) dst(%dma_wait3A_615 : memref<8x128xf32, #tpu.memory_space<hbm>>)
        %dma_wait3A_619 = arith.constant 4 : i32
        %dma_wait3A_620 = arith.constant 32 : i32
        %dma_wait3A_621 = arith.constant 0 : i32
        %dma_wait3A_622 = tpu.memref_slice %arg8[%dma_wait3A_620, %dma_wait3A_621] : memref<64x129xf32, #tpu.memory_space<vmem>> -> memref<8x128xf32, #tpu.memory_space<vmem>>
        %dma_wait3A_623 = arith.constant 0 : i32
        %dma_wait3A_624 = arith.constant 0 : i32
        %dma_wait3A_625 = tpu.memref_slice %arg4[%sub3A_558, %dma_wait3A_619, %add3A, %dma_wait3A_623, %dma_wait3A_624] : memref<200x8x32x8x128xf32, #tpu.memory_space<hbm>> -> memref<1x1x1x8x128xf32, #tpu.memory_space<hbm>>
        %dma_wait3A_626 = tpu.memref_squeeze %dma_wait3A_625 : memref<1x1x1x8x128xf32, #tpu.memory_space<hbm>> -> memref<8x128xf32, #tpu.memory_space<hbm>>
        %dma_wait3A_627 = arith.constant 0 : i32
        %dma_wait3A_628 = arith.constant 0 : i32
        %dma_wait3A_629 = tpu.memref_slice %arg4[%sub3A_558, %dma_wait3A_619, %add3A, %dma_wait3A_627, %dma_wait3A_628] : memref<200x8x32x8x128xf32, #tpu.memory_space<hbm>> -> memref<1x1x1x8x128xf32, #tpu.memory_space<hbm>>
        %dma_wait3A_630 = tpu.memref_squeeze %dma_wait3A_629 : memref<1x1x1x8x128xf32, #tpu.memory_space<hbm>> -> memref<8x128xf32, #tpu.memory_space<hbm>>
        %dma_wait3A_631 = arith.constant 32 : i32
        %dma_wait3A_632 = arith.constant 0 : i32
        %dma_wait3A_633 = tpu.memref_slice %arg8[%dma_wait3A_631, %dma_wait3A_632] : memref<64x129xf32, #tpu.memory_space<vmem>> -> memref<8x128xf32, #tpu.memory_space<vmem>>
        tpu.wait_dma2 semaphore(%arg12 : memref<!tpu.dma_semaphore, #tpu.memory_space<semaphore_mem>>) src(%dma_wait3A_633 : memref<8x128xf32, #tpu.memory_space<vmem>>) dst(%dma_wait3A_630 : memref<8x128xf32, #tpu.memory_space<hbm>>)
        %dma_wait3A_634 = arith.constant 5 : i32
        %dma_wait3A_635 = arith.constant 40 : i32
        %dma_wait3A_636 = arith.constant 0 : i32
        %dma_wait3A_637 = tpu.memref_slice %arg8[%dma_wait3A_635, %dma_wait3A_636] : memref<64x129xf32, #tpu.memory_space<vmem>> -> memref<8x128xf32, #tpu.memory_space<vmem>>
        %dma_wait3A_638 = arith.constant 0 : i32
        %dma_wait3A_639 = arith.constant 0 : i32
        %dma_wait3A_640 = tpu.memref_slice %arg4[%sub3A_558, %dma_wait3A_634, %add3A, %dma_wait3A_638, %dma_wait3A_639] : memref<200x8x32x8x128xf32, #tpu.memory_space<hbm>> -> memref<1x1x1x8x128xf32, #tpu.memory_space<hbm>>
        %dma_wait3A_641 = tpu.memref_squeeze %dma_wait3A_640 : memref<1x1x1x8x128xf32, #tpu.memory_space<hbm>> -> memref<8x128xf32, #tpu.memory_space<hbm>>
        %dma_wait3A_642 = arith.constant 0 : i32
        %dma_wait3A_643 = arith.constant 0 : i32
        %dma_wait3A_644 = tpu.memref_slice %arg4[%sub3A_558, %dma_wait3A_634, %add3A, %dma_wait3A_642, %dma_wait3A_643] : memref<200x8x32x8x128xf32, #tpu.memory_space<hbm>> -> memref<1x1x1x8x128xf32, #tpu.memory_space<hbm>>
        %dma_wait3A_645 = tpu.memref_squeeze %dma_wait3A_644 : memref<1x1x1x8x128xf32, #tpu.memory_space<hbm>> -> memref<8x128xf32, #tpu.memory_space<hbm>>
        %dma_wait3A_646 = arith.constant 40 : i32
        %dma_wait3A_647 = arith.constant 0 : i32
        %dma_wait3A_648 = tpu.memref_slice %arg8[%dma_wait3A_646, %dma_wait3A_647] : memref<64x129xf32, #tpu.memory_space<vmem>> -> memref<8x128xf32, #tpu.memory_space<vmem>>
        tpu.wait_dma2 semaphore(%arg12 : memref<!tpu.dma_semaphore, #tpu.memory_space<semaphore_mem>>) src(%dma_wait3A_648 : memref<8x128xf32, #tpu.memory_space<vmem>>) dst(%dma_wait3A_645 : memref<8x128xf32, #tpu.memory_space<hbm>>)
        %dma_wait3A_649 = arith.constant 6 : i32
        %dma_wait3A_650 = arith.constant 48 : i32
        %dma_wait3A_651 = arith.constant 0 : i32
        %dma_wait3A_652 = tpu.memref_slice %arg8[%dma_wait3A_650, %dma_wait3A_651] : memref<64x129xf32, #tpu.memory_space<vmem>> -> memref<8x128xf32, #tpu.memory_space<vmem>>
        %dma_wait3A_653 = arith.constant 0 : i32
        %dma_wait3A_654 = arith.constant 0 : i32
        %dma_wait3A_655 = tpu.memref_slice %arg4[%sub3A_558, %dma_wait3A_649, %add3A, %dma_wait3A_653, %dma_wait3A_654] : memref<200x8x32x8x128xf32, #tpu.memory_space<hbm>> -> memref<1x1x1x8x128xf32, #tpu.memory_space<hbm>>
        %dma_wait3A_656 = tpu.memref_squeeze %dma_wait3A_655 : memref<1x1x1x8x128xf32, #tpu.memory_space<hbm>> -> memref<8x128xf32, #tpu.memory_space<hbm>>
        %dma_wait3A_657 = arith.constant 0 : i32
        %dma_wait3A_658 = arith.constant 0 : i32
        %dma_wait3A_659 = tpu.memref_slice %arg4[%sub3A_558, %dma_wait3A_649, %add3A, %dma_wait3A_657, %dma_wait3A_658] : memref<200x8x32x8x128xf32, #tpu.memory_space<hbm>> -> memref<1x1x1x8x128xf32, #tpu.memory_space<hbm>>
        %dma_wait3A_660 = tpu.memref_squeeze %dma_wait3A_659 : memref<1x1x1x8x128xf32, #tpu.memory_space<hbm>> -> memref<8x128xf32, #tpu.memory_space<hbm>>
        %dma_wait3A_661 = arith.constant 48 : i32
        %dma_wait3A_662 = arith.constant 0 : i32
        %dma_wait3A_663 = tpu.memref_slice %arg8[%dma_wait3A_661, %dma_wait3A_662] : memref<64x129xf32, #tpu.memory_space<vmem>> -> memref<8x128xf32, #tpu.memory_space<vmem>>
        tpu.wait_dma2 semaphore(%arg12 : memref<!tpu.dma_semaphore, #tpu.memory_space<semaphore_mem>>) src(%dma_wait3A_663 : memref<8x128xf32, #tpu.memory_space<vmem>>) dst(%dma_wait3A_660 : memref<8x128xf32, #tpu.memory_space<hbm>>)
        %dma_wait3A_664 = arith.constant 7 : i32
        %dma_wait3A_665 = arith.constant 56 : i32
        %dma_wait3A_666 = arith.constant 0 : i32
        %dma_wait3A_667 = tpu.memref_slice %arg8[%dma_wait3A_665, %dma_wait3A_666] : memref<64x129xf32, #tpu.memory_space<vmem>> -> memref<8x128xf32, #tpu.memory_space<vmem>>
        %dma_wait3A_668 = arith.constant 0 : i32
        %dma_wait3A_669 = arith.constant 0 : i32
        %dma_wait3A_670 = tpu.memref_slice %arg4[%sub3A_558, %dma_wait3A_664, %add3A, %dma_wait3A_668, %dma_wait3A_669] : memref<200x8x32x8x128xf32, #tpu.memory_space<hbm>> -> memref<1x1x1x8x128xf32, #tpu.memory_space<hbm>>
        %dma_wait3A_671 = tpu.memref_squeeze %dma_wait3A_670 : memref<1x1x1x8x128xf32, #tpu.memory_space<hbm>> -> memref<8x128xf32, #tpu.memory_space<hbm>>
        %dma_wait3A_672 = arith.constant 0 : i32
        %dma_wait3A_673 = arith.constant 0 : i32
        %dma_wait3A_674 = tpu.memref_slice %arg4[%sub3A_558, %dma_wait3A_664, %add3A, %dma_wait3A_672, %dma_wait3A_673] : memref<200x8x32x8x128xf32, #tpu.memory_space<hbm>> -> memref<1x1x1x8x128xf32, #tpu.memory_space<hbm>>
        %dma_wait3A_675 = tpu.memref_squeeze %dma_wait3A_674 : memref<1x1x1x8x128xf32, #tpu.memory_space<hbm>> -> memref<8x128xf32, #tpu.memory_space<hbm>>
        %dma_wait3A_676 = arith.constant 56 : i32
        %dma_wait3A_677 = arith.constant 0 : i32
        %dma_wait3A_678 = tpu.memref_slice %arg8[%dma_wait3A_676, %dma_wait3A_677] : memref<64x129xf32, #tpu.memory_space<vmem>> -> memref<8x128xf32, #tpu.memory_space<vmem>>
        tpu.wait_dma2 semaphore(%arg12 : memref<!tpu.dma_semaphore, #tpu.memory_space<semaphore_mem>>) src(%dma_wait3A_678 : memref<8x128xf32, #tpu.memory_space<vmem>>) dst(%dma_wait3A_675 : memref<8x128xf32, #tpu.memory_space<hbm>>)
      } else {
      }
      %parallel_loop3A = arith.constant 0 : i32
      %parallel_loop3A_291 = arith.constant 128 : i32
      %parallel_loop3A_292 = arith.constant 1 : i32
      scf.for %parallel_loop3A_558 = %parallel_loop3A to %parallel_loop3A_291 step %parallel_loop3A_292  : i32 {
        %parallel_loop3A_559 = arith.constant 0 : i32
        %parallel_loop3A_560 = vector.broadcast %parallel_loop3A_559 : i32 to vector<16xi32>
        %parallel_loop3A_561 = vector.broadcast %parallel_loop3A_558 : i32 to vector<16xi32>
        %parallel_loop3A_562 = arith.addi %parallel_loop3A_560, %parallel_loop3A_561 : vector<16xi32>
        %parallel_loop3A_563 = arith.index_cast %parallel_loop3A_558 : i32 to index
        %parallel_loop3A_564 = arith.constant 0 : index
        %parallel_loop3A_565 = tpu.vector_load %arg6[%parallel_loop3A_563, %parallel_loop3A_564] {strides = array<i32>} : memref<128x64xf32, #tpu.memory_space<vmem>>, vector<16xf32>,
        %parallel_loop3A_566 = arith.constant 0 : i32
        %parallel_loop3A_567 = vector.broadcast %parallel_loop3A_566 : i32 to vector<16xi32>
        %parallel_loop3A_568 = arith.addi %iota3A, %parallel_loop3A_567 : vector<16xi32>
        tpu.vector_store_idx %arg8[%parallel_loop3A_568, %parallel_loop3A_562], %parallel_loop3A_565 : memref<64x129xf32, #tpu.memory_space<vmem>>[vector<16xi32>, vector<16xi32>], vector<16xf32>,
        %parallel_loop3A_569 = arith.index_cast %parallel_loop3A_558 : i32 to index
        %parallel_loop3A_570 = arith.constant 16 : index
        %parallel_loop3A_571 = tpu.vector_load %arg6[%parallel_loop3A_569, %parallel_loop3A_570] {strides = array<i32>} : memref<128x64xf32, #tpu.memory_space<vmem>>, vector<16xf32>,
        %parallel_loop3A_572 = arith.constant 16 : i32
        %parallel_loop3A_573 = vector.broadcast %parallel_loop3A_572 : i32 to vector<16xi32>
        %parallel_loop3A_574 = arith.addi %iota3A, %parallel_loop3A_573 : vector<16xi32>
        tpu.vector_store_idx %arg8[%parallel_loop3A_574, %parallel_loop3A_562], %parallel_loop3A_571 : memref<64x129xf32, #tpu.memory_space<vmem>>[vector<16xi32>, vector<16xi32>], vector<16xf32>,
        %parallel_loop3A_575 = arith.index_cast %parallel_loop3A_558 : i32 to index
        %parallel_loop3A_576 = arith.constant 32 : index
        %parallel_loop3A_577 = tpu.vector_load %arg6[%parallel_loop3A_575, %parallel_loop3A_576] {strides = array<i32>} : memref<128x64xf32, #tpu.memory_space<vmem>>, vector<16xf32>,
        %parallel_loop3A_578 = arith.constant 32 : i32
        %parallel_loop3A_579 = vector.broadcast %parallel_loop3A_578 : i32 to vector<16xi32>
        %parallel_loop3A_580 = arith.addi %iota3A, %parallel_loop3A_579 : vector<16xi32>
        tpu.vector_store_idx %arg8[%parallel_loop3A_580, %parallel_loop3A_562], %parallel_loop3A_577 : memref<64x129xf32, #tpu.memory_space<vmem>>[vector<16xi32>, vector<16xi32>], vector<16xf32>,
        %parallel_loop3A_581 = arith.index_cast %parallel_loop3A_558 : i32 to index
        %parallel_loop3A_582 = arith.constant 48 : index
        %parallel_loop3A_583 = tpu.vector_load %arg6[%parallel_loop3A_581, %parallel_loop3A_582] {strides = array<i32>} : memref<128x64xf32, #tpu.memory_space<vmem>>, vector<16xf32>,
        %parallel_loop3A_584 = arith.constant 48 : i32
        %parallel_loop3A_585 = vector.broadcast %parallel_loop3A_584 : i32 to vector<16xi32>
        %parallel_loop3A_586 = arith.addi %iota3A, %parallel_loop3A_585 : vector<16xi32>
        tpu.vector_store_idx %arg8[%parallel_loop3A_586, %parallel_loop3A_562], %parallel_loop3A_583 : memref<64x129xf32, #tpu.memory_space<vmem>>[vector<16xi32>, vector<16xi32>], vector<16xf32>,
      } {sc.loop_unroll_factor = 8 : i64, sc.parallel_access}
      %dma_start3A_293 = arith.constant 0 : i32
      %dma_start3A_294 = arith.constant 0 : i32
      %dma_start3A_295 = arith.constant 0 : i32
      %dma_start3A_296 = tpu.memref_slice %arg8[%dma_start3A_294, %dma_start3A_295] : memref<64x129xf32, #tpu.memory_space<vmem>> -> memref<8x128xf32, #tpu.memory_space<vmem>>
      %dma_start3A_297 = arith.constant 0 : i32
      %dma_start3A_298 = arith.constant 0 : i32
      %dma_start3A_299 = tpu.memref_slice %arg4[%add3A_276, %dma_start3A_293, %add3A, %dma_start3A_297, %dma_start3A_298] : memref<200x8x32x8x128xf32, #tpu.memory_space<hbm>> -> memref<1x1x1x8x128xf32, #tpu.memory_space<hbm>>
      %dma_start3A_300 = tpu.memref_squeeze %dma_start3A_299 : memref<1x1x1x8x128xf32, #tpu.memory_space<hbm>> -> memref<8x128xf32, #tpu.memory_space<hbm>>
      %dma_start3A_301 = arith.constant 0 : i32
      %dma_start3A_302 = arith.constant 0 : i32
      %dma_start3A_303 = tpu.memref_slice %arg4[%add3A_276, %dma_start3A_293, %add3A, %dma_start3A_301, %dma_start3A_302] : memref<200x8x32x8x128xf32, #tpu.memory_space<hbm>> -> memref<1x1x1x8x128xf32, #tpu.memory_space<hbm>>
      %dma_start3A_304 = tpu.memref_squeeze %dma_start3A_303 : memref<1x1x1x8x128xf32, #tpu.memory_space<hbm>> -> memref<8x128xf32, #tpu.memory_space<hbm>>
      %dma_start3A_305 = arith.constant 0 : i32
      %dma_start3A_306 = arith.constant 0 : i32
      %dma_start3A_307 = tpu.memref_slice %arg8[%dma_start3A_305, %dma_start3A_306] : memref<64x129xf32, #tpu.memory_space<vmem>> -> memref<8x128xf32, #tpu.memory_space<vmem>>
      tpu.enqueue_dma source(%dma_start3A_307 : memref<8x128xf32, #tpu.memory_space<vmem>>) target(%dma_start3A_304 : memref<8x128xf32, #tpu.memory_space<hbm>>) target_semaphore(%arg12 : memref<!tpu.dma_semaphore, #tpu.memory_space<semaphore_mem>>)
      %dma_start3A_308 = arith.constant 1 : i32
      %dma_start3A_309 = arith.constant 8 : i32
      %dma_start3A_310 = arith.constant 0 : i32
      %dma_start3A_311 = tpu.memref_slice %arg8[%dma_start3A_309, %dma_start3A_310] : memref<64x129xf32, #tpu.memory_space<vmem>> -> memref<8x128xf32, #tpu.memory_space<vmem>>
      %dma_start3A_312 = arith.constant 0 : i32
      %dma_start3A_313 = arith.constant 0 : i32
      %dma_start3A_314 = tpu.memref_slice %arg4[%add3A_276, %dma_start3A_308, %add3A, %dma_start3A_312, %dma_start3A_313] : memref<200x8x32x8x128xf32, #tpu.memory_space<hbm>> -> memref<1x1x1x8x128xf32, #tpu.memory_space<hbm>>
      %dma_start3A_315 = tpu.memref_squeeze %dma_start3A_314 : memref<1x1x1x8x128xf32, #tpu.memory_space<hbm>> -> memref<8x128xf32, #tpu.memory_space<hbm>>
      %dma_start3A_316 = arith.constant 0 : i32
      %dma_start3A_317 = arith.constant 0 : i32
      %dma_start3A_318 = tpu.memref_slice %arg4[%add3A_276, %dma_start3A_308, %add3A, %dma_start3A_316, %dma_start3A_317] : memref<200x8x32x8x128xf32, #tpu.memory_space<hbm>> -> memref<1x1x1x8x128xf32, #tpu.memory_space<hbm>>
      %dma_start3A_319 = tpu.memref_squeeze %dma_start3A_318 : memref<1x1x1x8x128xf32, #tpu.memory_space<hbm>> -> memref<8x128xf32, #tpu.memory_space<hbm>>
      %dma_start3A_320 = arith.constant 8 : i32
      %dma_start3A_321 = arith.constant 0 : i32
      %dma_start3A_322 = tpu.memref_slice %arg8[%dma_start3A_320, %dma_start3A_321] : memref<64x129xf32, #tpu.memory_space<vmem>> -> memref<8x128xf32, #tpu.memory_space<vmem>>
      tpu.enqueue_dma source(%dma_start3A_322 : memref<8x128xf32, #tpu.memory_space<vmem>>) target(%dma_start3A_319 : memref<8x128xf32, #tpu.memory_space<hbm>>) target_semaphore(%arg12 : memref<!tpu.dma_semaphore, #tpu.memory_space<semaphore_mem>>)
      %dma_start3A_323 = arith.constant 2 : i32
      %dma_start3A_324 = arith.constant 16 : i32
      %dma_start3A_325 = arith.constant 0 : i32
      %dma_start3A_326 = tpu.memref_slice %arg8[%dma_start3A_324, %dma_start3A_325] : memref<64x129xf32, #tpu.memory_space<vmem>> -> memref<8x128xf32, #tpu.memory_space<vmem>>
      %dma_start3A_327 = arith.constant 0 : i32
      %dma_start3A_328 = arith.constant 0 : i32
      %dma_start3A_329 = tpu.memref_slice %arg4[%add3A_276, %dma_start3A_323, %add3A, %dma_start3A_327, %dma_start3A_328] : memref<200x8x32x8x128xf32, #tpu.memory_space<hbm>> -> memref<1x1x1x8x128xf32, #tpu.memory_space<hbm>>
      %dma_start3A_330 = tpu.memref_squeeze %dma_start3A_329 : memref<1x1x1x8x128xf32, #tpu.memory_space<hbm>> -> memref<8x128xf32, #tpu.memory_space<hbm>>
      %dma_start3A_331 = arith.constant 0 : i32
      %dma_start3A_332 = arith.constant 0 : i32
      %dma_start3A_333 = tpu.memref_slice %arg4[%add3A_276, %dma_start3A_323, %add3A, %dma_start3A_331, %dma_start3A_332] : memref<200x8x32x8x128xf32, #tpu.memory_space<hbm>> -> memref<1x1x1x8x128xf32, #tpu.memory_space<hbm>>
      %dma_start3A_334 = tpu.memref_squeeze %dma_start3A_333 : memref<1x1x1x8x128xf32, #tpu.memory_space<hbm>> -> memref<8x128xf32, #tpu.memory_space<hbm>>
      %dma_start3A_335 = arith.constant 16 : i32
      %dma_start3A_336 = arith.constant 0 : i32
      %dma_start3A_337 = tpu.memref_slice %arg8[%dma_start3A_335, %dma_start3A_336] : memref<64x129xf32, #tpu.memory_space<vmem>> -> memref<8x128xf32, #tpu.memory_space<vmem>>
      tpu.enqueue_dma source(%dma_start3A_337 : memref<8x128xf32, #tpu.memory_space<vmem>>) target(%dma_start3A_334 : memref<8x128xf32, #tpu.memory_space<hbm>>) target_semaphore(%arg12 : memref<!tpu.dma_semaphore, #tpu.memory_space<semaphore_mem>>)
      %dma_start3A_338 = arith.constant 3 : i32
      %dma_start3A_339 = arith.constant 24 : i32
      %dma_start3A_340 = arith.constant 0 : i32
      %dma_start3A_341 = tpu.memref_slice %arg8[%dma_start3A_339, %dma_start3A_340] : memref<64x129xf32, #tpu.memory_space<vmem>> -> memref<8x128xf32, #tpu.memory_space<vmem>>
      %dma_start3A_342 = arith.constant 0 : i32
      %dma_start3A_343 = arith.constant 0 : i32
      %dma_start3A_344 = tpu.memref_slice %arg4[%add3A_276, %dma_start3A_338, %add3A, %dma_start3A_342, %dma_start3A_343] : memref<200x8x32x8x128xf32, #tpu.memory_space<hbm>> -> memref<1x1x1x8x128xf32, #tpu.memory_space<hbm>>
      %dma_start3A_345 = tpu.memref_squeeze %dma_start3A_344 : memref<1x1x1x8x128xf32, #tpu.memory_space<hbm>> -> memref<8x128xf32, #tpu.memory_space<hbm>>
      %dma_start3A_346 = arith.constant 0 : i32
      %dma_start3A_347 = arith.constant 0 : i32
      %dma_start3A_348 = tpu.memref_slice %arg4[%add3A_276, %dma_start3A_338, %add3A, %dma_start3A_346, %dma_start3A_347] : memref<200x8x32x8x128xf32, #tpu.memory_space<hbm>> -> memref<1x1x1x8x128xf32, #tpu.memory_space<hbm>>
      %dma_start3A_349 = tpu.memref_squeeze %dma_start3A_348 : memref<1x1x1x8x128xf32, #tpu.memory_space<hbm>> -> memref<8x128xf32, #tpu.memory_space<hbm>>
      %dma_start3A_350 = arith.constant 24 : i32
      %dma_start3A_351 = arith.constant 0 : i32
      %dma_start3A_352 = tpu.memref_slice %arg8[%dma_start3A_350, %dma_start3A_351] : memref<64x129xf32, #tpu.memory_space<vmem>> -> memref<8x128xf32, #tpu.memory_space<vmem>>
      tpu.enqueue_dma source(%dma_start3A_352 : memref<8x128xf32, #tpu.memory_space<vmem>>) target(%dma_start3A_349 : memref<8x128xf32, #tpu.memory_space<hbm>>) target_semaphore(%arg12 : memref<!tpu.dma_semaphore, #tpu.memory_space<semaphore_mem>>)
      %dma_start3A_353 = arith.constant 4 : i32
      %dma_start3A_354 = arith.constant 32 : i32
      %dma_start3A_355 = arith.constant 0 : i32
      %dma_start3A_356 = tpu.memref_slice %arg8[%dma_start3A_354, %dma_start3A_355] : memref<64x129xf32, #tpu.memory_space<vmem>> -> memref<8x128xf32, #tpu.memory_space<vmem>>
      %dma_start3A_357 = arith.constant 0 : i32
      %dma_start3A_358 = arith.constant 0 : i32
      %dma_start3A_359 = tpu.memref_slice %arg4[%add3A_276, %dma_start3A_353, %add3A, %dma_start3A_357, %dma_start3A_358] : memref<200x8x32x8x128xf32, #tpu.memory_space<hbm>> -> memref<1x1x1x8x128xf32, #tpu.memory_space<hbm>>
      %dma_start3A_360 = tpu.memref_squeeze %dma_start3A_359 : memref<1x1x1x8x128xf32, #tpu.memory_space<hbm>> -> memref<8x128xf32, #tpu.memory_space<hbm>>
      %dma_start3A_361 = arith.constant 0 : i32
      %dma_start3A_362 = arith.constant 0 : i32
      %dma_start3A_363 = tpu.memref_slice %arg4[%add3A_276, %dma_start3A_353, %add3A, %dma_start3A_361, %dma_start3A_362] : memref<200x8x32x8x128xf32, #tpu.memory_space<hbm>> -> memref<1x1x1x8x128xf32, #tpu.memory_space<hbm>>
      %dma_start3A_364 = tpu.memref_squeeze %dma_start3A_363 : memref<1x1x1x8x128xf32, #tpu.memory_space<hbm>> -> memref<8x128xf32, #tpu.memory_space<hbm>>
      %dma_start3A_365 = arith.constant 32 : i32
      %dma_start3A_366 = arith.constant 0 : i32
      %dma_start3A_367 = tpu.memref_slice %arg8[%dma_start3A_365, %dma_start3A_366] : memref<64x129xf32, #tpu.memory_space<vmem>> -> memref<8x128xf32, #tpu.memory_space<vmem>>
      tpu.enqueue_dma source(%dma_start3A_367 : memref<8x128xf32, #tpu.memory_space<vmem>>) target(%dma_start3A_364 : memref<8x128xf32, #tpu.memory_space<hbm>>) target_semaphore(%arg12 : memref<!tpu.dma_semaphore, #tpu.memory_space<semaphore_mem>>)
      %dma_start3A_368 = arith.constant 5 : i32
      %dma_start3A_369 = arith.constant 40 : i32
      %dma_start3A_370 = arith.constant 0 : i32
      %dma_start3A_371 = tpu.memref_slice %arg8[%dma_start3A_369, %dma_start3A_370] : memref<64x129xf32, #tpu.memory_space<vmem>> -> memref<8x128xf32, #tpu.memory_space<vmem>>
      %dma_start3A_372 = arith.constant 0 : i32
      %dma_start3A_373 = arith.constant 0 : i32
      %dma_start3A_374 = tpu.memref_slice %arg4[%add3A_276, %dma_start3A_368, %add3A, %dma_start3A_372, %dma_start3A_373] : memref<200x8x32x8x128xf32, #tpu.memory_space<hbm>> -> memref<1x1x1x8x128xf32, #tpu.memory_space<hbm>>
      %dma_start3A_375 = tpu.memref_squeeze %dma_start3A_374 : memref<1x1x1x8x128xf32, #tpu.memory_space<hbm>> -> memref<8x128xf32, #tpu.memory_space<hbm>>
      %dma_start3A_376 = arith.constant 0 : i32
      %dma_start3A_377 = arith.constant 0 : i32
      %dma_start3A_378 = tpu.memref_slice %arg4[%add3A_276, %dma_start3A_368, %add3A, %dma_start3A_376, %dma_start3A_377] : memref<200x8x32x8x128xf32, #tpu.memory_space<hbm>> -> memref<1x1x1x8x128xf32, #tpu.memory_space<hbm>>
      %dma_start3A_379 = tpu.memref_squeeze %dma_start3A_378 : memref<1x1x1x8x128xf32, #tpu.memory_space<hbm>> -> memref<8x128xf32, #tpu.memory_space<hbm>>
      %dma_start3A_380 = arith.constant 40 : i32
      %dma_start3A_381 = arith.constant 0 : i32
      %dma_start3A_382 = tpu.memref_slice %arg8[%dma_start3A_380, %dma_start3A_381] : memref<64x129xf32, #tpu.memory_space<vmem>> -> memref<8x128xf32, #tpu.memory_space<vmem>>
      tpu.enqueue_dma source(%dma_start3A_382 : memref<8x128xf32, #tpu.memory_space<vmem>>) target(%dma_start3A_379 : memref<8x128xf32, #tpu.memory_space<hbm>>) target_semaphore(%arg12 : memref<!tpu.dma_semaphore, #tpu.memory_space<semaphore_mem>>)
      %dma_start3A_383 = arith.constant 6 : i32
      %dma_start3A_384 = arith.constant 48 : i32
      %dma_start3A_385 = arith.constant 0 : i32
      %dma_start3A_386 = tpu.memref_slice %arg8[%dma_start3A_384, %dma_start3A_385] : memref<64x129xf32, #tpu.memory_space<vmem>> -> memref<8x128xf32, #tpu.memory_space<vmem>>
      %dma_start3A_387 = arith.constant 0 : i32
      %dma_start3A_388 = arith.constant 0 : i32
      %dma_start3A_389 = tpu.memref_slice %arg4[%add3A_276, %dma_start3A_383, %add3A, %dma_start3A_387, %dma_start3A_388] : memref<200x8x32x8x128xf32, #tpu.memory_space<hbm>> -> memref<1x1x1x8x128xf32, #tpu.memory_space<hbm>>
      %dma_start3A_390 = tpu.memref_squeeze %dma_start3A_389 : memref<1x1x1x8x128xf32, #tpu.memory_space<hbm>> -> memref<8x128xf32, #tpu.memory_space<hbm>>
      %dma_start3A_391 = arith.constant 0 : i32
      %dma_start3A_392 = arith.constant 0 : i32
      %dma_start3A_393 = tpu.memref_slice %arg4[%add3A_276, %dma_start3A_383, %add3A, %dma_start3A_391, %dma_start3A_392] : memref<200x8x32x8x128xf32, #tpu.memory_space<hbm>> -> memref<1x1x1x8x128xf32, #tpu.memory_space<hbm>>
      %dma_start3A_394 = tpu.memref_squeeze %dma_start3A_393 : memref<1x1x1x8x128xf32, #tpu.memory_space<hbm>> -> memref<8x128xf32, #tpu.memory_space<hbm>>
      %dma_start3A_395 = arith.constant 48 : i32
      %dma_start3A_396 = arith.constant 0 : i32
      %dma_start3A_397 = tpu.memref_slice %arg8[%dma_start3A_395, %dma_start3A_396] : memref<64x129xf32, #tpu.memory_space<vmem>> -> memref<8x128xf32, #tpu.memory_space<vmem>>
      tpu.enqueue_dma source(%dma_start3A_397 : memref<8x128xf32, #tpu.memory_space<vmem>>) target(%dma_start3A_394 : memref<8x128xf32, #tpu.memory_space<hbm>>) target_semaphore(%arg12 : memref<!tpu.dma_semaphore, #tpu.memory_space<semaphore_mem>>)
      %dma_start3A_398 = arith.constant 7 : i32
      %dma_start3A_399 = arith.constant 56 : i32
      %dma_start3A_400 = arith.constant 0 : i32
      %dma_start3A_401 = tpu.memref_slice %arg8[%dma_start3A_399, %dma_start3A_400] : memref<64x129xf32, #tpu.memory_space<vmem>> -> memref<8x128xf32, #tpu.memory_space<vmem>>
      %dma_start3A_402 = arith.constant 0 : i32
      %dma_start3A_403 = arith.constant 0 : i32
      %dma_start3A_404 = tpu.memref_slice %arg4[%add3A_276, %dma_start3A_398, %add3A, %dma_start3A_402, %dma_start3A_403] : memref<200x8x32x8x128xf32, #tpu.memory_space<hbm>> -> memref<1x1x1x8x128xf32, #tpu.memory_space<hbm>>
      %dma_start3A_405 = tpu.memref_squeeze %dma_start3A_404 : memref<1x1x1x8x128xf32, #tpu.memory_space<hbm>> -> memref<8x128xf32, #tpu.memory_space<hbm>>
      %dma_start3A_406 = arith.constant 0 : i32
      %dma_start3A_407 = arith.constant 0 : i32
      %dma_start3A_408 = tpu.memref_slice %arg4[%add3A_276, %dma_start3A_398, %add3A, %dma_start3A_406, %dma_start3A_407] : memref<200x8x32x8x128xf32, #tpu.memory_space<hbm>> -> memref<1x1x1x8x128xf32, #tpu.memory_space<hbm>>
      %dma_start3A_409 = tpu.memref_squeeze %dma_start3A_408 : memref<1x1x1x8x128xf32, #tpu.memory_space<hbm>> -> memref<8x128xf32, #tpu.memory_space<hbm>>
      %dma_start3A_410 = arith.constant 56 : i32
      %dma_start3A_411 = arith.constant 0 : i32
      %dma_start3A_412 = tpu.memref_slice %arg8[%dma_start3A_410, %dma_start3A_411] : memref<64x129xf32, #tpu.memory_space<vmem>> -> memref<8x128xf32, #tpu.memory_space<vmem>>
      tpu.enqueue_dma source(%dma_start3A_412 : memref<8x128xf32, #tpu.memory_space<vmem>>) target(%dma_start3A_409 : memref<8x128xf32, #tpu.memory_space<hbm>>) target_semaphore(%arg12 : memref<!tpu.dma_semaphore, #tpu.memory_space<semaphore_mem>>)
      %mul3A_413 = arith.constant 2 : i32
      %mul3A_414 = arith.muli %add3A_272, %mul3A_413 : i32
      %add3A_415 = arith.constant 1 : i32
      %add3A_416 = arith.addi %mul3A_414, %add3A_415 : i32
      %add3A_417 = arith.constant 1 : i32
      %add3A_418 = arith.addi %add3A_416, %add3A_417 : i32
      %lt3A_419 = arith.constant 200 : i32
      %lt3A_420 = arith.cmpi slt, %add3A_418, %lt3A_419 : i32
      %convert_element_type3A_421 = arith.extui %lt3A_420 : i1 to i32
      %cond3A_422 = arith.constant 0 : i32
      %cond3A_423 = arith.cmpi ne, %convert_element_type3A_421, %cond3A_422 : i32
      scf.if %cond3A_423 {
        %add3A_558 = arith.constant 1 : i32
        %add3A_559 = arith.addi %add3A_416, %add3A_558 : i32
        %dma_start3A_560 = arith.constant 0 : i32
        %dma_start3A_561 = tpu.memref_slice %arg5[%add3A_559, %dma_start3A_560] : memref<200x128xi32, #tpu.memory_space<vmem>> -> memref<1x128xi32, #tpu.memory_space<vmem>>
        %dma_start3A_562 = tpu.memref_squeeze %dma_start3A_561 : memref<1x128xi32, #tpu.memory_space<vmem>> -> memref<128xi32, #tpu.memory_space<vmem>>
        %dma_start3A_563 = arith.constant 0 : i32
        %dma_start3A_564 = arith.constant 0 : i32
        %dma_start3A_565 = tpu.memref_slice %arg3[%dma_start3A_563, %dma_start3A_564] : memref<1000000x64xf32, #tpu.memory_space<hbm>> -> memref<1000000x64xf32, #tpu.memory_space<hbm>>
        tpu.enqueue_indirect_dma source(%dma_start3A_565 : memref<1000000x64xf32, #tpu.memory_space<hbm>>) target(%arg6 : memref<128x64xf32, #tpu.memory_space<vmem>>) offsets(%dma_start3A_562 : memref<128xi32, #tpu.memory_space<vmem>>) semaphore(%arg10 : memref<!tpu.dma_semaphore, #tpu.memory_space<semaphore_mem>>)
      } else {
      }
      %dma_wait3A_424 = arith.constant 0 : i32
      %dma_wait3A_425 = tpu.memref_slice %arg5[%add3A_416, %dma_wait3A_424] : memref<200x128xi32, #tpu.memory_space<vmem>> -> memref<1x128xi32, #tpu.memory_space<vmem>>
      %dma_wait3A_426 = tpu.memref_squeeze %dma_wait3A_425 : memref<1x128xi32, #tpu.memory_space<vmem>> -> memref<128xi32, #tpu.memory_space<vmem>>
      %dma_wait3A_427 = arith.constant 0 : i32
      %dma_wait3A_428 = arith.constant 0 : i32
      %dma_wait3A_429 = tpu.memref_slice %arg3[%dma_wait3A_427, %dma_wait3A_428] : memref<1000000x64xf32, #tpu.memory_space<hbm>> -> memref<1000000x64xf32, #tpu.memory_space<hbm>>
      tpu.wait_indirect_dma semaphore(%arg11 : memref<!tpu.dma_semaphore, #tpu.memory_space<semaphore_mem>>) src(%dma_wait3A_429 : memref<1000000x64xf32, #tpu.memory_space<hbm>>) dst(%arg7 : memref<128x64xf32, #tpu.memory_space<vmem>>)
      %ge3A_430 = arith.constant 2 : i32
      %ge3A_431 = arith.cmpi sge, %add3A_416, %ge3A_430 : i32
      %convert_element_type3A_432 = arith.extui %ge3A_431 : i1 to i32
      %cond3A_433 = arith.constant 0 : i32
      %cond3A_434 = arith.cmpi ne, %convert_element_type3A_432, %cond3A_433 : i32
      scf.if %cond3A_434 {
        %sub3A = arith.constant 2 : i32
        %sub3A_558 = arith.subi %add3A_416, %sub3A : i32
        %dma_wait3A_559 = arith.constant 0 : i32
        %dma_wait3A_560 = arith.constant 0 : i32
        %dma_wait3A_561 = arith.constant 0 : i32
        %dma_wait3A_562 = tpu.memref_slice %arg9[%dma_wait3A_560, %dma_wait3A_561] : memref<64x129xf32, #tpu.memory_space<vmem>> -> memref<8x128xf32, #tpu.memory_space<vmem>>
        %dma_wait3A_563 = arith.constant 0 : i32
        %dma_wait3A_564 = arith.constant 0 : i32
        %dma_wait3A_565 = tpu.memref_slice %arg4[%sub3A_558, %dma_wait3A_559, %add3A, %dma_wait3A_563, %dma_wait3A_564] : memref<200x8x32x8x128xf32, #tpu.memory_space<hbm>> -> memref<1x1x1x8x128xf32, #tpu.memory_space<hbm>>
        %dma_wait3A_566 = tpu.memref_squeeze %dma_wait3A_565 : memref<1x1x1x8x128xf32, #tpu.memory_space<hbm>> -> memref<8x128xf32, #tpu.memory_space<hbm>>
        %dma_wait3A_567 = arith.constant 0 : i32
        %dma_wait3A_568 = arith.constant 0 : i32
        %dma_wait3A_569 = tpu.memref_slice %arg4[%sub3A_558, %dma_wait3A_559, %add3A, %dma_wait3A_567, %dma_wait3A_568] : memref<200x8x32x8x128xf32, #tpu.memory_space<hbm>> -> memref<1x1x1x8x128xf32, #tpu.memory_space<hbm>>
        %dma_wait3A_570 = tpu.memref_squeeze %dma_wait3A_569 : memref<1x1x1x8x128xf32, #tpu.memory_space<hbm>> -> memref<8x128xf32, #tpu.memory_space<hbm>>
        %dma_wait3A_571 = arith.constant 0 : i32
        %dma_wait3A_572 = arith.constant 0 : i32
        %dma_wait3A_573 = tpu.memref_slice %arg9[%dma_wait3A_571, %dma_wait3A_572] : memref<64x129xf32, #tpu.memory_space<vmem>> -> memref<8x128xf32, #tpu.memory_space<vmem>>
        tpu.wait_dma2 semaphore(%arg13 : memref<!tpu.dma_semaphore, #tpu.memory_space<semaphore_mem>>) src(%dma_wait3A_573 : memref<8x128xf32, #tpu.memory_space<vmem>>) dst(%dma_wait3A_570 : memref<8x128xf32, #tpu.memory_space<hbm>>)
        %dma_wait3A_574 = arith.constant 1 : i32
        %dma_wait3A_575 = arith.constant 8 : i32
        %dma_wait3A_576 = arith.constant 0 : i32
        %dma_wait3A_577 = tpu.memref_slice %arg9[%dma_wait3A_575, %dma_wait3A_576] : memref<64x129xf32, #tpu.memory_space<vmem>> -> memref<8x128xf32, #tpu.memory_space<vmem>>
        %dma_wait3A_578 = arith.constant 0 : i32
        %dma_wait3A_579 = arith.constant 0 : i32
        %dma_wait3A_580 = tpu.memref_slice %arg4[%sub3A_558, %dma_wait3A_574, %add3A, %dma_wait3A_578, %dma_wait3A_579] : memref<200x8x32x8x128xf32, #tpu.memory_space<hbm>> -> memref<1x1x1x8x128xf32, #tpu.memory_space<hbm>>
        %dma_wait3A_581 = tpu.memref_squeeze %dma_wait3A_580 : memref<1x1x1x8x128xf32, #tpu.memory_space<hbm>> -> memref<8x128xf32, #tpu.memory_space<hbm>>
        %dma_wait3A_582 = arith.constant 0 : i32
        %dma_wait3A_583 = arith.constant 0 : i32
        %dma_wait3A_584 = tpu.memref_slice %arg4[%sub3A_558, %dma_wait3A_574, %add3A, %dma_wait3A_582, %dma_wait3A_583] : memref<200x8x32x8x128xf32, #tpu.memory_space<hbm>> -> memref<1x1x1x8x128xf32, #tpu.memory_space<hbm>>
        %dma_wait3A_585 = tpu.memref_squeeze %dma_wait3A_584 : memref<1x1x1x8x128xf32, #tpu.memory_space<hbm>> -> memref<8x128xf32, #tpu.memory_space<hbm>>
        %dma_wait3A_586 = arith.constant 8 : i32
        %dma_wait3A_587 = arith.constant 0 : i32
        %dma_wait3A_588 = tpu.memref_slice %arg9[%dma_wait3A_586, %dma_wait3A_587] : memref<64x129xf32, #tpu.memory_space<vmem>> -> memref<8x128xf32, #tpu.memory_space<vmem>>
        tpu.wait_dma2 semaphore(%arg13 : memref<!tpu.dma_semaphore, #tpu.memory_space<semaphore_mem>>) src(%dma_wait3A_588 : memref<8x128xf32, #tpu.memory_space<vmem>>) dst(%dma_wait3A_585 : memref<8x128xf32, #tpu.memory_space<hbm>>)
        %dma_wait3A_589 = arith.constant 2 : i32
        %dma_wait3A_590 = arith.constant 16 : i32
        %dma_wait3A_591 = arith.constant 0 : i32
        %dma_wait3A_592 = tpu.memref_slice %arg9[%dma_wait3A_590, %dma_wait3A_591] : memref<64x129xf32, #tpu.memory_space<vmem>> -> memref<8x128xf32, #tpu.memory_space<vmem>>
        %dma_wait3A_593 = arith.constant 0 : i32
        %dma_wait3A_594 = arith.constant 0 : i32
        %dma_wait3A_595 = tpu.memref_slice %arg4[%sub3A_558, %dma_wait3A_589, %add3A, %dma_wait3A_593, %dma_wait3A_594] : memref<200x8x32x8x128xf32, #tpu.memory_space<hbm>> -> memref<1x1x1x8x128xf32, #tpu.memory_space<hbm>>
        %dma_wait3A_596 = tpu.memref_squeeze %dma_wait3A_595 : memref<1x1x1x8x128xf32, #tpu.memory_space<hbm>> -> memref<8x128xf32, #tpu.memory_space<hbm>>
        %dma_wait3A_597 = arith.constant 0 : i32
        %dma_wait3A_598 = arith.constant 0 : i32
        %dma_wait3A_599 = tpu.memref_slice %arg4[%sub3A_558, %dma_wait3A_589, %add3A, %dma_wait3A_597, %dma_wait3A_598] : memref<200x8x32x8x128xf32, #tpu.memory_space<hbm>> -> memref<1x1x1x8x128xf32, #tpu.memory_space<hbm>>
        %dma_wait3A_600 = tpu.memref_squeeze %dma_wait3A_599 : memref<1x1x1x8x128xf32, #tpu.memory_space<hbm>> -> memref<8x128xf32, #tpu.memory_space<hbm>>
        %dma_wait3A_601 = arith.constant 16 : i32
        %dma_wait3A_602 = arith.constant 0 : i32
        %dma_wait3A_603 = tpu.memref_slice %arg9[%dma_wait3A_601, %dma_wait3A_602] : memref<64x129xf32, #tpu.memory_space<vmem>> -> memref<8x128xf32, #tpu.memory_space<vmem>>
        tpu.wait_dma2 semaphore(%arg13 : memref<!tpu.dma_semaphore, #tpu.memory_space<semaphore_mem>>) src(%dma_wait3A_603 : memref<8x128xf32, #tpu.memory_space<vmem>>) dst(%dma_wait3A_600 : memref<8x128xf32, #tpu.memory_space<hbm>>)
        %dma_wait3A_604 = arith.constant 3 : i32
        %dma_wait3A_605 = arith.constant 24 : i32
        %dma_wait3A_606 = arith.constant 0 : i32
        %dma_wait3A_607 = tpu.memref_slice %arg9[%dma_wait3A_605, %dma_wait3A_606] : memref<64x129xf32, #tpu.memory_space<vmem>> -> memref<8x128xf32, #tpu.memory_space<vmem>>
        %dma_wait3A_608 = arith.constant 0 : i32
        %dma_wait3A_609 = arith.constant 0 : i32
        %dma_wait3A_610 = tpu.memref_slice %arg4[%sub3A_558, %dma_wait3A_604, %add3A, %dma_wait3A_608, %dma_wait3A_609] : memref<200x8x32x8x128xf32, #tpu.memory_space<hbm>> -> memref<1x1x1x8x128xf32, #tpu.memory_space<hbm>>
        %dma_wait3A_611 = tpu.memref_squeeze %dma_wait3A_610 : memref<1x1x1x8x128xf32, #tpu.memory_space<hbm>> -> memref<8x128xf32, #tpu.memory_space<hbm>>
        %dma_wait3A_612 = arith.constant 0 : i32
        %dma_wait3A_613 = arith.constant 0 : i32
        %dma_wait3A_614 = tpu.memref_slice %arg4[%sub3A_558, %dma_wait3A_604, %add3A, %dma_wait3A_612, %dma_wait3A_613] : memref<200x8x32x8x128xf32, #tpu.memory_space<hbm>> -> memref<1x1x1x8x128xf32, #tpu.memory_space<hbm>>
        %dma_wait3A_615 = tpu.memref_squeeze %dma_wait3A_614 : memref<1x1x1x8x128xf32, #tpu.memory_space<hbm>> -> memref<8x128xf32, #tpu.memory_space<hbm>>
        %dma_wait3A_616 = arith.constant 24 : i32
        %dma_wait3A_617 = arith.constant 0 : i32
        %dma_wait3A_618 = tpu.memref_slice %arg9[%dma_wait3A_616, %dma_wait3A_617] : memref<64x129xf32, #tpu.memory_space<vmem>> -> memref<8x128xf32, #tpu.memory_space<vmem>>
        tpu.wait_dma2 semaphore(%arg13 : memref<!tpu.dma_semaphore, #tpu.memory_space<semaphore_mem>>) src(%dma_wait3A_618 : memref<8x128xf32, #tpu.memory_space<vmem>>) dst(%dma_wait3A_615 : memref<8x128xf32, #tpu.memory_space<hbm>>)
        %dma_wait3A_619 = arith.constant 4 : i32
        %dma_wait3A_620 = arith.constant 32 : i32
        %dma_wait3A_621 = arith.constant 0 : i32
        %dma_wait3A_622 = tpu.memref_slice %arg9[%dma_wait3A_620, %dma_wait3A_621] : memref<64x129xf32, #tpu.memory_space<vmem>> -> memref<8x128xf32, #tpu.memory_space<vmem>>
        %dma_wait3A_623 = arith.constant 0 : i32
        %dma_wait3A_624 = arith.constant 0 : i32
        %dma_wait3A_625 = tpu.memref_slice %arg4[%sub3A_558, %dma_wait3A_619, %add3A, %dma_wait3A_623, %dma_wait3A_624] : memref<200x8x32x8x128xf32, #tpu.memory_space<hbm>> -> memref<1x1x1x8x128xf32, #tpu.memory_space<hbm>>
        %dma_wait3A_626 = tpu.memref_squeeze %dma_wait3A_625 : memref<1x1x1x8x128xf32, #tpu.memory_space<hbm>> -> memref<8x128xf32, #tpu.memory_space<hbm>>
        %dma_wait3A_627 = arith.constant 0 : i32
        %dma_wait3A_628 = arith.constant 0 : i32
        %dma_wait3A_629 = tpu.memref_slice %arg4[%sub3A_558, %dma_wait3A_619, %add3A, %dma_wait3A_627, %dma_wait3A_628] : memref<200x8x32x8x128xf32, #tpu.memory_space<hbm>> -> memref<1x1x1x8x128xf32, #tpu.memory_space<hbm>>
        %dma_wait3A_630 = tpu.memref_squeeze %dma_wait3A_629 : memref<1x1x1x8x128xf32, #tpu.memory_space<hbm>> -> memref<8x128xf32, #tpu.memory_space<hbm>>
        %dma_wait3A_631 = arith.constant 32 : i32
        %dma_wait3A_632 = arith.constant 0 : i32
        %dma_wait3A_633 = tpu.memref_slice %arg9[%dma_wait3A_631, %dma_wait3A_632] : memref<64x129xf32, #tpu.memory_space<vmem>> -> memref<8x128xf32, #tpu.memory_space<vmem>>
        tpu.wait_dma2 semaphore(%arg13 : memref<!tpu.dma_semaphore, #tpu.memory_space<semaphore_mem>>) src(%dma_wait3A_633 : memref<8x128xf32, #tpu.memory_space<vmem>>) dst(%dma_wait3A_630 : memref<8x128xf32, #tpu.memory_space<hbm>>)
        %dma_wait3A_634 = arith.constant 5 : i32
        %dma_wait3A_635 = arith.constant 40 : i32
        %dma_wait3A_636 = arith.constant 0 : i32
        %dma_wait3A_637 = tpu.memref_slice %arg9[%dma_wait3A_635, %dma_wait3A_636] : memref<64x129xf32, #tpu.memory_space<vmem>> -> memref<8x128xf32, #tpu.memory_space<vmem>>
        %dma_wait3A_638 = arith.constant 0 : i32
        %dma_wait3A_639 = arith.constant 0 : i32
        %dma_wait3A_640 = tpu.memref_slice %arg4[%sub3A_558, %dma_wait3A_634, %add3A, %dma_wait3A_638, %dma_wait3A_639] : memref<200x8x32x8x128xf32, #tpu.memory_space<hbm>> -> memref<1x1x1x8x128xf32, #tpu.memory_space<hbm>>
        %dma_wait3A_641 = tpu.memref_squeeze %dma_wait3A_640 : memref<1x1x1x8x128xf32, #tpu.memory_space<hbm>> -> memref<8x128xf32, #tpu.memory_space<hbm>>
        %dma_wait3A_642 = arith.constant 0 : i32
        %dma_wait3A_643 = arith.constant 0 : i32
        %dma_wait3A_644 = tpu.memref_slice %arg4[%sub3A_558, %dma_wait3A_634, %add3A, %dma_wait3A_642, %dma_wait3A_643] : memref<200x8x32x8x128xf32, #tpu.memory_space<hbm>> -> memref<1x1x1x8x128xf32, #tpu.memory_space<hbm>>
        %dma_wait3A_645 = tpu.memref_squeeze %dma_wait3A_644 : memref<1x1x1x8x128xf32, #tpu.memory_space<hbm>> -> memref<8x128xf32, #tpu.memory_space<hbm>>
        %dma_wait3A_646 = arith.constant 40 : i32
        %dma_wait3A_647 = arith.constant 0 : i32
        %dma_wait3A_648 = tpu.memref_slice %arg9[%dma_wait3A_646, %dma_wait3A_647] : memref<64x129xf32, #tpu.memory_space<vmem>> -> memref<8x128xf32, #tpu.memory_space<vmem>>
        tpu.wait_dma2 semaphore(%arg13 : memref<!tpu.dma_semaphore, #tpu.memory_space<semaphore_mem>>) src(%dma_wait3A_648 : memref<8x128xf32, #tpu.memory_space<vmem>>) dst(%dma_wait3A_645 : memref<8x128xf32, #tpu.memory_space<hbm>>)
        %dma_wait3A_649 = arith.constant 6 : i32
        %dma_wait3A_650 = arith.constant 48 : i32
        %dma_wait3A_651 = arith.constant 0 : i32
        %dma_wait3A_652 = tpu.memref_slice %arg9[%dma_wait3A_650, %dma_wait3A_651] : memref<64x129xf32, #tpu.memory_space<vmem>> -> memref<8x128xf32, #tpu.memory_space<vmem>>
        %dma_wait3A_653 = arith.constant 0 : i32
        %dma_wait3A_654 = arith.constant 0 : i32
        %dma_wait3A_655 = tpu.memref_slice %arg4[%sub3A_558, %dma_wait3A_649, %add3A, %dma_wait3A_653, %dma_wait3A_654] : memref<200x8x32x8x128xf32, #tpu.memory_space<hbm>> -> memref<1x1x1x8x128xf32, #tpu.memory_space<hbm>>
        %dma_wait3A_656 = tpu.memref_squeeze %dma_wait3A_655 : memref<1x1x1x8x128xf32, #tpu.memory_space<hbm>> -> memref<8x128xf32, #tpu.memory_space<hbm>>
        %dma_wait3A_657 = arith.constant 0 : i32
        %dma_wait3A_658 = arith.constant 0 : i32
        %dma_wait3A_659 = tpu.memref_slice %arg4[%sub3A_558, %dma_wait3A_649, %add3A, %dma_wait3A_657, %dma_wait3A_658] : memref<200x8x32x8x128xf32, #tpu.memory_space<hbm>> -> memref<1x1x1x8x128xf32, #tpu.memory_space<hbm>>
        %dma_wait3A_660 = tpu.memref_squeeze %dma_wait3A_659 : memref<1x1x1x8x128xf32, #tpu.memory_space<hbm>> -> memref<8x128xf32, #tpu.memory_space<hbm>>
        %dma_wait3A_661 = arith.constant 48 : i32
        %dma_wait3A_662 = arith.constant 0 : i32
        %dma_wait3A_663 = tpu.memref_slice %arg9[%dma_wait3A_661, %dma_wait3A_662] : memref<64x129xf32, #tpu.memory_space<vmem>> -> memref<8x128xf32, #tpu.memory_space<vmem>>
        tpu.wait_dma2 semaphore(%arg13 : memref<!tpu.dma_semaphore, #tpu.memory_space<semaphore_mem>>) src(%dma_wait3A_663 : memref<8x128xf32, #tpu.memory_space<vmem>>) dst(%dma_wait3A_660 : memref<8x128xf32, #tpu.memory_space<hbm>>)
        %dma_wait3A_664 = arith.constant 7 : i32
        %dma_wait3A_665 = arith.constant 56 : i32
        %dma_wait3A_666 = arith.constant 0 : i32
        %dma_wait3A_667 = tpu.memref_slice %arg9[%dma_wait3A_665, %dma_wait3A_666] : memref<64x129xf32, #tpu.memory_space<vmem>> -> memref<8x128xf32, #tpu.memory_space<vmem>>
        %dma_wait3A_668 = arith.constant 0 : i32
        %dma_wait3A_669 = arith.constant 0 : i32
        %dma_wait3A_670 = tpu.memref_slice %arg4[%sub3A_558, %dma_wait3A_664, %add3A, %dma_wait3A_668, %dma_wait3A_669] : memref<200x8x32x8x128xf32, #tpu.memory_space<hbm>> -> memref<1x1x1x8x128xf32, #tpu.memory_space<hbm>>
        %dma_wait3A_671 = tpu.memref_squeeze %dma_wait3A_670 : memref<1x1x1x8x128xf32, #tpu.memory_space<hbm>> -> memref<8x128xf32, #tpu.memory_space<hbm>>
        %dma_wait3A_672 = arith.constant 0 : i32
        %dma_wait3A_673 = arith.constant 0 : i32
        %dma_wait3A_674 = tpu.memref_slice %arg4[%sub3A_558, %dma_wait3A_664, %add3A, %dma_wait3A_672, %dma_wait3A_673] : memref<200x8x32x8x128xf32, #tpu.memory_space<hbm>> -> memref<1x1x1x8x128xf32, #tpu.memory_space<hbm>>
        %dma_wait3A_675 = tpu.memref_squeeze %dma_wait3A_674 : memref<1x1x1x8x128xf32, #tpu.memory_space<hbm>> -> memref<8x128xf32, #tpu.memory_space<hbm>>
        %dma_wait3A_676 = arith.constant 56 : i32
        %dma_wait3A_677 = arith.constant 0 : i32
        %dma_wait3A_678 = tpu.memref_slice %arg9[%dma_wait3A_676, %dma_wait3A_677] : memref<64x129xf32, #tpu.memory_space<vmem>> -> memref<8x128xf32, #tpu.memory_space<vmem>>
        tpu.wait_dma2 semaphore(%arg13 : memref<!tpu.dma_semaphore, #tpu.memory_space<semaphore_mem>>) src(%dma_wait3A_678 : memref<8x128xf32, #tpu.memory_space<vmem>>) dst(%dma_wait3A_675 : memref<8x128xf32, #tpu.memory_space<hbm>>)
      } else {
      }
      %parallel_loop3A_435 = arith.constant 0 : i32
      %parallel_loop3A_436 = arith.constant 128 : i32
      %parallel_loop3A_437 = arith.constant 1 : i32
      scf.for %parallel_loop3A_558 = %parallel_loop3A_435 to %parallel_loop3A_436 step %parallel_loop3A_437  : i32 {
        %parallel_loop3A_559 = arith.constant 0 : i32
        %parallel_loop3A_560 = vector.broadcast %parallel_loop3A_559 : i32 to vector<16xi32>
        %parallel_loop3A_561 = vector.broadcast %parallel_loop3A_558 : i32 to vector<16xi32>
        %parallel_loop3A_562 = arith.addi %parallel_loop3A_560, %parallel_loop3A_561 : vector<16xi32>
        %parallel_loop3A_563 = arith.index_cast %parallel_loop3A_558 : i32 to index
        %parallel_loop3A_564 = arith.constant 0 : index
        %parallel_loop3A_565 = tpu.vector_load %arg7[%parallel_loop3A_563, %parallel_loop3A_564] {strides = array<i32>} : memref<128x64xf32, #tpu.memory_space<vmem>>, vector<16xf32>,
        %parallel_loop3A_566 = arith.constant 0 : i32
        %parallel_loop3A_567 = vector.broadcast %parallel_loop3A_566 : i32 to vector<16xi32>
        %parallel_loop3A_568 = arith.addi %iota3A, %parallel_loop3A_567 : vector<16xi32>
        tpu.vector_store_idx %arg9[%parallel_loop3A_568, %parallel_loop3A_562], %parallel_loop3A_565 : memref<64x129xf32, #tpu.memory_space<vmem>>[vector<16xi32>, vector<16xi32>], vector<16xf32>,
        %parallel_loop3A_569 = arith.index_cast %parallel_loop3A_558 : i32 to index
        %parallel_loop3A_570 = arith.constant 16 : index
        %parallel_loop3A_571 = tpu.vector_load %arg7[%parallel_loop3A_569, %parallel_loop3A_570] {strides = array<i32>} : memref<128x64xf32, #tpu.memory_space<vmem>>, vector<16xf32>,
        %parallel_loop3A_572 = arith.constant 16 : i32
        %parallel_loop3A_573 = vector.broadcast %parallel_loop3A_572 : i32 to vector<16xi32>
        %parallel_loop3A_574 = arith.addi %iota3A, %parallel_loop3A_573 : vector<16xi32>
        tpu.vector_store_idx %arg9[%parallel_loop3A_574, %parallel_loop3A_562], %parallel_loop3A_571 : memref<64x129xf32, #tpu.memory_space<vmem>>[vector<16xi32>, vector<16xi32>], vector<16xf32>,
        %parallel_loop3A_575 = arith.index_cast %parallel_loop3A_558 : i32 to index
        %parallel_loop3A_576 = arith.constant 32 : index
        %parallel_loop3A_577 = tpu.vector_load %arg7[%parallel_loop3A_575, %parallel_loop3A_576] {strides = array<i32>} : memref<128x64xf32, #tpu.memory_space<vmem>>, vector<16xf32>,
        %parallel_loop3A_578 = arith.constant 32 : i32
        %parallel_loop3A_579 = vector.broadcast %parallel_loop3A_578 : i32 to vector<16xi32>
        %parallel_loop3A_580 = arith.addi %iota3A, %parallel_loop3A_579 : vector<16xi32>
        tpu.vector_store_idx %arg9[%parallel_loop3A_580, %parallel_loop3A_562], %parallel_loop3A_577 : memref<64x129xf32, #tpu.memory_space<vmem>>[vector<16xi32>, vector<16xi32>], vector<16xf32>,
        %parallel_loop3A_581 = arith.index_cast %parallel_loop3A_558 : i32 to index
        %parallel_loop3A_582 = arith.constant 48 : index
        %parallel_loop3A_583 = tpu.vector_load %arg7[%parallel_loop3A_581, %parallel_loop3A_582] {strides = array<i32>} : memref<128x64xf32, #tpu.memory_space<vmem>>, vector<16xf32>,
        %parallel_loop3A_584 = arith.constant 48 : i32
        %parallel_loop3A_585 = vector.broadcast %parallel_loop3A_584 : i32 to vector<16xi32>
        %parallel_loop3A_586 = arith.addi %iota3A, %parallel_loop3A_585 : vector<16xi32>
        tpu.vector_store_idx %arg9[%parallel_loop3A_586, %parallel_loop3A_562], %parallel_loop3A_583 : memref<64x129xf32, #tpu.memory_space<vmem>>[vector<16xi32>, vector<16xi32>], vector<16xf32>,
      } {sc.loop_unroll_factor = 8 : i64, sc.parallel_access}
      %dma_start3A_438 = arith.constant 0 : i32
      %dma_start3A_439 = arith.constant 0 : i32
      %dma_start3A_440 = arith.constant 0 : i32
      %dma_start3A_441 = tpu.memref_slice %arg9[%dma_start3A_439, %dma_start3A_440] : memref<64x129xf32, #tpu.memory_space<vmem>> -> memref<8x128xf32, #tpu.memory_space<vmem>>
      %dma_start3A_442 = arith.constant 0 : i32
      %dma_start3A_443 = arith.constant 0 : i32
      %dma_start3A_444 = tpu.memref_slice %arg4[%add3A_416, %dma_start3A_438, %add3A, %dma_start3A_442, %dma_start3A_443] : memref<200x8x32x8x128xf32, #tpu.memory_space<hbm>> -> memref<1x1x1x8x128xf32, #tpu.memory_space<hbm>>
      %dma_start3A_445 = tpu.memref_squeeze %dma_start3A_444 : memref<1x1x1x8x128xf32, #tpu.memory_space<hbm>> -> memref<8x128xf32, #tpu.memory_space<hbm>>
      %dma_start3A_446 = arith.constant 0 : i32
      %dma_start3A_447 = arith.constant 0 : i32
      %dma_start3A_448 = tpu.memref_slice %arg4[%add3A_416, %dma_start3A_438, %add3A, %dma_start3A_446, %dma_start3A_447] : memref<200x8x32x8x128xf32, #tpu.memory_space<hbm>> -> memref<1x1x1x8x128xf32, #tpu.memory_space<hbm>>
      %dma_start3A_449 = tpu.memref_squeeze %dma_start3A_448 : memref<1x1x1x8x128xf32, #tpu.memory_space<hbm>> -> memref<8x128xf32, #tpu.memory_space<hbm>>
      %dma_start3A_450 = arith.constant 0 : i32
      %dma_start3A_451 = arith.constant 0 : i32
      %dma_start3A_452 = tpu.memref_slice %arg9[%dma_start3A_450, %dma_start3A_451] : memref<64x129xf32, #tpu.memory_space<vmem>> -> memref<8x128xf32, #tpu.memory_space<vmem>>
      tpu.enqueue_dma source(%dma_start3A_452 : memref<8x128xf32, #tpu.memory_space<vmem>>) target(%dma_start3A_449 : memref<8x128xf32, #tpu.memory_space<hbm>>) target_semaphore(%arg13 : memref<!tpu.dma_semaphore, #tpu.memory_space<semaphore_mem>>)
      %dma_start3A_453 = arith.constant 1 : i32
      %dma_start3A_454 = arith.constant 8 : i32
      %dma_start3A_455 = arith.constant 0 : i32
      %dma_start3A_456 = tpu.memref_slice %arg9[%dma_start3A_454, %dma_start3A_455] : memref<64x129xf32, #tpu.memory_space<vmem>> -> memref<8x128xf32, #tpu.memory_space<vmem>>
      %dma_start3A_457 = arith.constant 0 : i32
      %dma_start3A_458 = arith.constant 0 : i32
      %dma_start3A_459 = tpu.memref_slice %arg4[%add3A_416, %dma_start3A_453, %add3A, %dma_start3A_457, %dma_start3A_458] : memref<200x8x32x8x128xf32, #tpu.memory_space<hbm>> -> memref<1x1x1x8x128xf32, #tpu.memory_space<hbm>>
      %dma_start3A_460 = tpu.memref_squeeze %dma_start3A_459 : memref<1x1x1x8x128xf32, #tpu.memory_space<hbm>> -> memref<8x128xf32, #tpu.memory_space<hbm>>
      %dma_start3A_461 = arith.constant 0 : i32
      %dma_start3A_462 = arith.constant 0 : i32
      %dma_start3A_463 = tpu.memref_slice %arg4[%add3A_416, %dma_start3A_453, %add3A, %dma_start3A_461, %dma_start3A_462] : memref<200x8x32x8x128xf32, #tpu.memory_space<hbm>> -> memref<1x1x1x8x128xf32, #tpu.memory_space<hbm>>
      %dma_start3A_464 = tpu.memref_squeeze %dma_start3A_463 : memref<1x1x1x8x128xf32, #tpu.memory_space<hbm>> -> memref<8x128xf32, #tpu.memory_space<hbm>>
      %dma_start3A_465 = arith.constant 8 : i32
      %dma_start3A_466 = arith.constant 0 : i32
      %dma_start3A_467 = tpu.memref_slice %arg9[%dma_start3A_465, %dma_start3A_466] : memref<64x129xf32, #tpu.memory_space<vmem>> -> memref<8x128xf32, #tpu.memory_space<vmem>>
      tpu.enqueue_dma source(%dma_start3A_467 : memref<8x128xf32, #tpu.memory_space<vmem>>) target(%dma_start3A_464 : memref<8x128xf32, #tpu.memory_space<hbm>>) target_semaphore(%arg13 : memref<!tpu.dma_semaphore, #tpu.memory_space<semaphore_mem>>)
      %dma_start3A_468 = arith.constant 2 : i32
      %dma_start3A_469 = arith.constant 16 : i32
      %dma_start3A_470 = arith.constant 0 : i32
      %dma_start3A_471 = tpu.memref_slice %arg9[%dma_start3A_469, %dma_start3A_470] : memref<64x129xf32, #tpu.memory_space<vmem>> -> memref<8x128xf32, #tpu.memory_space<vmem>>
      %dma_start3A_472 = arith.constant 0 : i32
      %dma_start3A_473 = arith.constant 0 : i32
      %dma_start3A_474 = tpu.memref_slice %arg4[%add3A_416, %dma_start3A_468, %add3A, %dma_start3A_472, %dma_start3A_473] : memref<200x8x32x8x128xf32, #tpu.memory_space<hbm>> -> memref<1x1x1x8x128xf32, #tpu.memory_space<hbm>>
      %dma_start3A_475 = tpu.memref_squeeze %dma_start3A_474 : memref<1x1x1x8x128xf32, #tpu.memory_space<hbm>> -> memref<8x128xf32, #tpu.memory_space<hbm>>
      %dma_start3A_476 = arith.constant 0 : i32
      %dma_start3A_477 = arith.constant 0 : i32
      %dma_start3A_478 = tpu.memref_slice %arg4[%add3A_416, %dma_start3A_468, %add3A, %dma_start3A_476, %dma_start3A_477] : memref<200x8x32x8x128xf32, #tpu.memory_space<hbm>> -> memref<1x1x1x8x128xf32, #tpu.memory_space<hbm>>
      %dma_start3A_479 = tpu.memref_squeeze %dma_start3A_478 : memref<1x1x1x8x128xf32, #tpu.memory_space<hbm>> -> memref<8x128xf32, #tpu.memory_space<hbm>>
      %dma_start3A_480 = arith.constant 16 : i32
      %dma_start3A_481 = arith.constant 0 : i32
      %dma_start3A_482 = tpu.memref_slice %arg9[%dma_start3A_480, %dma_start3A_481] : memref<64x129xf32, #tpu.memory_space<vmem>> -> memref<8x128xf32, #tpu.memory_space<vmem>>
      tpu.enqueue_dma source(%dma_start3A_482 : memref<8x128xf32, #tpu.memory_space<vmem>>) target(%dma_start3A_479 : memref<8x128xf32, #tpu.memory_space<hbm>>) target_semaphore(%arg13 : memref<!tpu.dma_semaphore, #tpu.memory_space<semaphore_mem>>)
      %dma_start3A_483 = arith.constant 3 : i32
      %dma_start3A_484 = arith.constant 24 : i32
      %dma_start3A_485 = arith.constant 0 : i32
      %dma_start3A_486 = tpu.memref_slice %arg9[%dma_start3A_484, %dma_start3A_485] : memref<64x129xf32, #tpu.memory_space<vmem>> -> memref<8x128xf32, #tpu.memory_space<vmem>>
      %dma_start3A_487 = arith.constant 0 : i32
      %dma_start3A_488 = arith.constant 0 : i32
      %dma_start3A_489 = tpu.memref_slice %arg4[%add3A_416, %dma_start3A_483, %add3A, %dma_start3A_487, %dma_start3A_488] : memref<200x8x32x8x128xf32, #tpu.memory_space<hbm>> -> memref<1x1x1x8x128xf32, #tpu.memory_space<hbm>>
      %dma_start3A_490 = tpu.memref_squeeze %dma_start3A_489 : memref<1x1x1x8x128xf32, #tpu.memory_space<hbm>> -> memref<8x128xf32, #tpu.memory_space<hbm>>
      %dma_start3A_491 = arith.constant 0 : i32
      %dma_start3A_492 = arith.constant 0 : i32
      %dma_start3A_493 = tpu.memref_slice %arg4[%add3A_416, %dma_start3A_483, %add3A, %dma_start3A_491, %dma_start3A_492] : memref<200x8x32x8x128xf32, #tpu.memory_space<hbm>> -> memref<1x1x1x8x128xf32, #tpu.memory_space<hbm>>
      %dma_start3A_494 = tpu.memref_squeeze %dma_start3A_493 : memref<1x1x1x8x128xf32, #tpu.memory_space<hbm>> -> memref<8x128xf32, #tpu.memory_space<hbm>>
      %dma_start3A_495 = arith.constant 24 : i32
      %dma_start3A_496 = arith.constant 0 : i32
      %dma_start3A_497 = tpu.memref_slice %arg9[%dma_start3A_495, %dma_start3A_496] : memref<64x129xf32, #tpu.memory_space<vmem>> -> memref<8x128xf32, #tpu.memory_space<vmem>>
      tpu.enqueue_dma source(%dma_start3A_497 : memref<8x128xf32, #tpu.memory_space<vmem>>) target(%dma_start3A_494 : memref<8x128xf32, #tpu.memory_space<hbm>>) target_semaphore(%arg13 : memref<!tpu.dma_semaphore, #tpu.memory_space<semaphore_mem>>)
      %dma_start3A_498 = arith.constant 4 : i32
      %dma_start3A_499 = arith.constant 32 : i32
      %dma_start3A_500 = arith.constant 0 : i32
      %dma_start3A_501 = tpu.memref_slice %arg9[%dma_start3A_499, %dma_start3A_500] : memref<64x129xf32, #tpu.memory_space<vmem>> -> memref<8x128xf32, #tpu.memory_space<vmem>>
      %dma_start3A_502 = arith.constant 0 : i32
      %dma_start3A_503 = arith.constant 0 : i32
      %dma_start3A_504 = tpu.memref_slice %arg4[%add3A_416, %dma_start3A_498, %add3A, %dma_start3A_502, %dma_start3A_503] : memref<200x8x32x8x128xf32, #tpu.memory_space<hbm>> -> memref<1x1x1x8x128xf32, #tpu.memory_space<hbm>>
      %dma_start3A_505 = tpu.memref_squeeze %dma_start3A_504 : memref<1x1x1x8x128xf32, #tpu.memory_space<hbm>> -> memref<8x128xf32, #tpu.memory_space<hbm>>
      %dma_start3A_506 = arith.constant 0 : i32
      %dma_start3A_507 = arith.constant 0 : i32
      %dma_start3A_508 = tpu.memref_slice %arg4[%add3A_416, %dma_start3A_498, %add3A, %dma_start3A_506, %dma_start3A_507] : memref<200x8x32x8x128xf32, #tpu.memory_space<hbm>> -> memref<1x1x1x8x128xf32, #tpu.memory_space<hbm>>
      %dma_start3A_509 = tpu.memref_squeeze %dma_start3A_508 : memref<1x1x1x8x128xf32, #tpu.memory_space<hbm>> -> memref<8x128xf32, #tpu.memory_space<hbm>>
      %dma_start3A_510 = arith.constant 32 : i32
      %dma_start3A_511 = arith.constant 0 : i32
      %dma_start3A_512 = tpu.memref_slice %arg9[%dma_start3A_510, %dma_start3A_511] : memref<64x129xf32, #tpu.memory_space<vmem>> -> memref<8x128xf32, #tpu.memory_space<vmem>>
      tpu.enqueue_dma source(%dma_start3A_512 : memref<8x128xf32, #tpu.memory_space<vmem>>) target(%dma_start3A_509 : memref<8x128xf32, #tpu.memory_space<hbm>>) target_semaphore(%arg13 : memref<!tpu.dma_semaphore, #tpu.memory_space<semaphore_mem>>)
      %dma_start3A_513 = arith.constant 5 : i32
      %dma_start3A_514 = arith.constant 40 : i32
      %dma_start3A_515 = arith.constant 0 : i32
      %dma_start3A_516 = tpu.memref_slice %arg9[%dma_start3A_514, %dma_start3A_515] : memref<64x129xf32, #tpu.memory_space<vmem>> -> memref<8x128xf32, #tpu.memory_space<vmem>>
      %dma_start3A_517 = arith.constant 0 : i32
      %dma_start3A_518 = arith.constant 0 : i32
      %dma_start3A_519 = tpu.memref_slice %arg4[%add3A_416, %dma_start3A_513, %add3A, %dma_start3A_517, %dma_start3A_518] : memref<200x8x32x8x128xf32, #tpu.memory_space<hbm>> -> memref<1x1x1x8x128xf32, #tpu.memory_space<hbm>>
      %dma_start3A_520 = tpu.memref_squeeze %dma_start3A_519 : memref<1x1x1x8x128xf32, #tpu.memory_space<hbm>> -> memref<8x128xf32, #tpu.memory_space<hbm>>
      %dma_start3A_521 = arith.constant 0 : i32
      %dma_start3A_522 = arith.constant 0 : i32
      %dma_start3A_523 = tpu.memref_slice %arg4[%add3A_416, %dma_start3A_513, %add3A, %dma_start3A_521, %dma_start3A_522] : memref<200x8x32x8x128xf32, #tpu.memory_space<hbm>> -> memref<1x1x1x8x128xf32, #tpu.memory_space<hbm>>
      %dma_start3A_524 = tpu.memref_squeeze %dma_start3A_523 : memref<1x1x1x8x128xf32, #tpu.memory_space<hbm>> -> memref<8x128xf32, #tpu.memory_space<hbm>>
      %dma_start3A_525 = arith.constant 40 : i32
      %dma_start3A_526 = arith.constant 0 : i32
      %dma_start3A_527 = tpu.memref_slice %arg9[%dma_start3A_525, %dma_start3A_526] : memref<64x129xf32, #tpu.memory_space<vmem>> -> memref<8x128xf32, #tpu.memory_space<vmem>>
      tpu.enqueue_dma source(%dma_start3A_527 : memref<8x128xf32, #tpu.memory_space<vmem>>) target(%dma_start3A_524 : memref<8x128xf32, #tpu.memory_space<hbm>>) target_semaphore(%arg13 : memref<!tpu.dma_semaphore, #tpu.memory_space<semaphore_mem>>)
      %dma_start3A_528 = arith.constant 6 : i32
      %dma_start3A_529 = arith.constant 48 : i32
      %dma_start3A_530 = arith.constant 0 : i32
      %dma_start3A_531 = tpu.memref_slice %arg9[%dma_start3A_529, %dma_start3A_530] : memref<64x129xf32, #tpu.memory_space<vmem>> -> memref<8x128xf32, #tpu.memory_space<vmem>>
      %dma_start3A_532 = arith.constant 0 : i32
      %dma_start3A_533 = arith.constant 0 : i32
      %dma_start3A_534 = tpu.memref_slice %arg4[%add3A_416, %dma_start3A_528, %add3A, %dma_start3A_532, %dma_start3A_533] : memref<200x8x32x8x128xf32, #tpu.memory_space<hbm>> -> memref<1x1x1x8x128xf32, #tpu.memory_space<hbm>>
      %dma_start3A_535 = tpu.memref_squeeze %dma_start3A_534 : memref<1x1x1x8x128xf32, #tpu.memory_space<hbm>> -> memref<8x128xf32, #tpu.memory_space<hbm>>
      %dma_start3A_536 = arith.constant 0 : i32
      %dma_start3A_537 = arith.constant 0 : i32
      %dma_start3A_538 = tpu.memref_slice %arg4[%add3A_416, %dma_start3A_528, %add3A, %dma_start3A_536, %dma_start3A_537] : memref<200x8x32x8x128xf32, #tpu.memory_space<hbm>> -> memref<1x1x1x8x128xf32, #tpu.memory_space<hbm>>
      %dma_start3A_539 = tpu.memref_squeeze %dma_start3A_538 : memref<1x1x1x8x128xf32, #tpu.memory_space<hbm>> -> memref<8x128xf32, #tpu.memory_space<hbm>>
      %dma_start3A_540 = arith.constant 48 : i32
      %dma_start3A_541 = arith.constant 0 : i32
      %dma_start3A_542 = tpu.memref_slice %arg9[%dma_start3A_540, %dma_start3A_541] : memref<64x129xf32, #tpu.memory_space<vmem>> -> memref<8x128xf32, #tpu.memory_space<vmem>>
      tpu.enqueue_dma source(%dma_start3A_542 : memref<8x128xf32, #tpu.memory_space<vmem>>) target(%dma_start3A_539 : memref<8x128xf32, #tpu.memory_space<hbm>>) target_semaphore(%arg13 : memref<!tpu.dma_semaphore, #tpu.memory_space<semaphore_mem>>)
      %dma_start3A_543 = arith.constant 7 : i32
      %dma_start3A_544 = arith.constant 56 : i32
      %dma_start3A_545 = arith.constant 0 : i32
      %dma_start3A_546 = tpu.memref_slice %arg9[%dma_start3A_544, %dma_start3A_545] : memref<64x129xf32, #tpu.memory_space<vmem>> -> memref<8x128xf32, #tpu.memory_space<vmem>>
      %dma_start3A_547 = arith.constant 0 : i32
      %dma_start3A_548 = arith.constant 0 : i32
      %dma_start3A_549 = tpu.memref_slice %arg4[%add3A_416, %dma_start3A_543, %add3A, %dma_start3A_547, %dma_start3A_548] : memref<200x8x32x8x128xf32, #tpu.memory_space<hbm>> -> memref<1x1x1x8x128xf32, #tpu.memory_space<hbm>>
      %dma_start3A_550 = tpu.memref_squeeze %dma_start3A_549 : memref<1x1x1x8x128xf32, #tpu.memory_space<hbm>> -> memref<8x128xf32, #tpu.memory_space<hbm>>
      %dma_start3A_551 = arith.constant 0 : i32
      %dma_start3A_552 = arith.constant 0 : i32
      %dma_start3A_553 = tpu.memref_slice %arg4[%add3A_416, %dma_start3A_543, %add3A, %dma_start3A_551, %dma_start3A_552] : memref<200x8x32x8x128xf32, #tpu.memory_space<hbm>> -> memref<1x1x1x8x128xf32, #tpu.memory_space<hbm>>
      %dma_start3A_554 = tpu.memref_squeeze %dma_start3A_553 : memref<1x1x1x8x128xf32, #tpu.memory_space<hbm>> -> memref<8x128xf32, #tpu.memory_space<hbm>>
      %dma_start3A_555 = arith.constant 56 : i32
      %dma_start3A_556 = arith.constant 0 : i32
      %dma_start3A_557 = tpu.memref_slice %arg9[%dma_start3A_555, %dma_start3A_556] : memref<64x129xf32, #tpu.memory_space<vmem>> -> memref<8x128xf32, #tpu.memory_space<vmem>>
      tpu.enqueue_dma source(%dma_start3A_557 : memref<8x128xf32, #tpu.memory_space<vmem>>) target(%dma_start3A_554 : memref<8x128xf32, #tpu.memory_space<hbm>>) target_semaphore(%arg13 : memref<!tpu.dma_semaphore, #tpu.memory_space<semaphore_mem>>)
    }
    %scan3A_12 = arith.constant 100 : i32
    %dma_wait3A = arith.constant 198 : i32
    %dma_wait3A_13 = arith.constant 0 : i32
    %dma_wait3A_14 = arith.constant 0 : i32
    %dma_wait3A_15 = arith.constant 0 : i32
    %dma_wait3A_16 = tpu.memref_slice %arg8[%dma_wait3A_14, %dma_wait3A_15] : memref<64x129xf32, #tpu.memory_space<vmem>> -> memref<8x128xf32, #tpu.memory_space<vmem>>
    %dma_wait3A_17 = arith.constant 0 : i32
    %dma_wait3A_18 = arith.constant 0 : i32
    %dma_wait3A_19 = tpu.memref_slice %arg4[%dma_wait3A, %dma_wait3A_13, %add3A, %dma_wait3A_17, %dma_wait3A_18] : memref<200x8x32x8x128xf32, #tpu.memory_space<hbm>> -> memref<1x1x1x8x128xf32, #tpu.memory_space<hbm>>
    %dma_wait3A_20 = tpu.memref_squeeze %dma_wait3A_19 : memref<1x1x1x8x128xf32, #tpu.memory_space<hbm>> -> memref<8x128xf32, #tpu.memory_space<hbm>>
    %dma_wait3A_21 = arith.constant 0 : i32
    %dma_wait3A_22 = arith.constant 0 : i32
    %dma_wait3A_23 = tpu.memref_slice %arg4[%dma_wait3A, %dma_wait3A_13, %add3A, %dma_wait3A_21, %dma_wait3A_22] : memref<200x8x32x8x128xf32, #tpu.memory_space<hbm>> -> memref<1x1x1x8x128xf32, #tpu.memory_space<hbm>>
    %dma_wait3A_24 = tpu.memref_squeeze %dma_wait3A_23 : memref<1x1x1x8x128xf32, #tpu.memory_space<hbm>> -> memref<8x128xf32, #tpu.memory_space<hbm>>
    %dma_wait3A_25 = arith.constant 0 : i32
    %dma_wait3A_26 = arith.constant 0 : i32
    %dma_wait3A_27 = tpu.memref_slice %arg8[%dma_wait3A_25, %dma_wait3A_26] : memref<64x129xf32, #tpu.memory_space<vmem>> -> memref<8x128xf32, #tpu.memory_space<vmem>>
    tpu.wait_dma2 semaphore(%arg12 : memref<!tpu.dma_semaphore, #tpu.memory_space<semaphore_mem>>) src(%dma_wait3A_27 : memref<8x128xf32, #tpu.memory_space<vmem>>) dst(%dma_wait3A_24 : memref<8x128xf32, #tpu.memory_space<hbm>>)
    %dma_wait3A_28 = arith.constant 198 : i32
    %dma_wait3A_29 = arith.constant 1 : i32
    %dma_wait3A_30 = arith.constant 8 : i32
    %dma_wait3A_31 = arith.constant 0 : i32
    %dma_wait3A_32 = tpu.memref_slice %arg8[%dma_wait3A_30, %dma_wait3A_31] : memref<64x129xf32, #tpu.memory_space<vmem>> -> memref<8x128xf32, #tpu.memory_space<vmem>>
    %dma_wait3A_33 = arith.constant 0 : i32
    %dma_wait3A_34 = arith.constant 0 : i32
    %dma_wait3A_35 = tpu.memref_slice %arg4[%dma_wait3A_28, %dma_wait3A_29, %add3A, %dma_wait3A_33, %dma_wait3A_34] : memref<200x8x32x8x128xf32, #tpu.memory_space<hbm>> -> memref<1x1x1x8x128xf32, #tpu.memory_space<hbm>>
    %dma_wait3A_36 = tpu.memref_squeeze %dma_wait3A_35 : memref<1x1x1x8x128xf32, #tpu.memory_space<hbm>> -> memref<8x128xf32, #tpu.memory_space<hbm>>
    %dma_wait3A_37 = arith.constant 0 : i32
    %dma_wait3A_38 = arith.constant 0 : i32
    %dma_wait3A_39 = tpu.memref_slice %arg4[%dma_wait3A_28, %dma_wait3A_29, %add3A, %dma_wait3A_37, %dma_wait3A_38] : memref<200x8x32x8x128xf32, #tpu.memory_space<hbm>> -> memref<1x1x1x8x128xf32, #tpu.memory_space<hbm>>
    %dma_wait3A_40 = tpu.memref_squeeze %dma_wait3A_39 : memref<1x1x1x8x128xf32, #tpu.memory_space<hbm>> -> memref<8x128xf32, #tpu.memory_space<hbm>>
    %dma_wait3A_41 = arith.constant 8 : i32
    %dma_wait3A_42 = arith.constant 0 : i32
    %dma_wait3A_43 = tpu.memref_slice %arg8[%dma_wait3A_41, %dma_wait3A_42] : memref<64x129xf32, #tpu.memory_space<vmem>> -> memref<8x128xf32, #tpu.memory_space<vmem>>
    tpu.wait_dma2 semaphore(%arg12 : memref<!tpu.dma_semaphore, #tpu.memory_space<semaphore_mem>>) src(%dma_wait3A_43 : memref<8x128xf32, #tpu.memory_space<vmem>>) dst(%dma_wait3A_40 : memref<8x128xf32, #tpu.memory_space<hbm>>)
    %dma_wait3A_44 = arith.constant 198 : i32
    %dma_wait3A_45 = arith.constant 2 : i32
    %dma_wait3A_46 = arith.constant 16 : i32
    %dma_wait3A_47 = arith.constant 0 : i32
    %dma_wait3A_48 = tpu.memref_slice %arg8[%dma_wait3A_46, %dma_wait3A_47] : memref<64x129xf32, #tpu.memory_space<vmem>> -> memref<8x128xf32, #tpu.memory_space<vmem>>
    %dma_wait3A_49 = arith.constant 0 : i32
    %dma_wait3A_50 = arith.constant 0 : i32
    %dma_wait3A_51 = tpu.memref_slice %arg4[%dma_wait3A_44, %dma_wait3A_45, %add3A, %dma_wait3A_49, %dma_wait3A_50] : memref<200x8x32x8x128xf32, #tpu.memory_space<hbm>> -> memref<1x1x1x8x128xf32, #tpu.memory_space<hbm>>
    %dma_wait3A_52 = tpu.memref_squeeze %dma_wait3A_51 : memref<1x1x1x8x128xf32, #tpu.memory_space<hbm>> -> memref<8x128xf32, #tpu.memory_space<hbm>>
    %dma_wait3A_53 = arith.constant 0 : i32
    %dma_wait3A_54 = arith.constant 0 : i32
    %dma_wait3A_55 = tpu.memref_slice %arg4[%dma_wait3A_44, %dma_wait3A_45, %add3A, %dma_wait3A_53, %dma_wait3A_54] : memref<200x8x32x8x128xf32, #tpu.memory_space<hbm>> -> memref<1x1x1x8x128xf32, #tpu.memory_space<hbm>>
    %dma_wait3A_56 = tpu.memref_squeeze %dma_wait3A_55 : memref<1x1x1x8x128xf32, #tpu.memory_space<hbm>> -> memref<8x128xf32, #tpu.memory_space<hbm>>
    %dma_wait3A_57 = arith.constant 16 : i32
    %dma_wait3A_58 = arith.constant 0 : i32
    %dma_wait3A_59 = tpu.memref_slice %arg8[%dma_wait3A_57, %dma_wait3A_58] : memref<64x129xf32, #tpu.memory_space<vmem>> -> memref<8x128xf32, #tpu.memory_space<vmem>>
    tpu.wait_dma2 semaphore(%arg12 : memref<!tpu.dma_semaphore, #tpu.memory_space<semaphore_mem>>) src(%dma_wait3A_59 : memref<8x128xf32, #tpu.memory_space<vmem>>) dst(%dma_wait3A_56 : memref<8x128xf32, #tpu.memory_space<hbm>>)
    %dma_wait3A_60 = arith.constant 198 : i32
    %dma_wait3A_61 = arith.constant 3 : i32
    %dma_wait3A_62 = arith.constant 24 : i32
    %dma_wait3A_63 = arith.constant 0 : i32
    %dma_wait3A_64 = tpu.memref_slice %arg8[%dma_wait3A_62, %dma_wait3A_63] : memref<64x129xf32, #tpu.memory_space<vmem>> -> memref<8x128xf32, #tpu.memory_space<vmem>>
    %dma_wait3A_65 = arith.constant 0 : i32
    %dma_wait3A_66 = arith.constant 0 : i32
    %dma_wait3A_67 = tpu.memref_slice %arg4[%dma_wait3A_60, %dma_wait3A_61, %add3A, %dma_wait3A_65, %dma_wait3A_66] : memref<200x8x32x8x128xf32, #tpu.memory_space<hbm>> -> memref<1x1x1x8x128xf32, #tpu.memory_space<hbm>>
    %dma_wait3A_68 = tpu.memref_squeeze %dma_wait3A_67 : memref<1x1x1x8x128xf32, #tpu.memory_space<hbm>> -> memref<8x128xf32, #tpu.memory_space<hbm>>
    %dma_wait3A_69 = arith.constant 0 : i32
    %dma_wait3A_70 = arith.constant 0 : i32
    %dma_wait3A_71 = tpu.memref_slice %arg4[%dma_wait3A_60, %dma_wait3A_61, %add3A, %dma_wait3A_69, %dma_wait3A_70] : memref<200x8x32x8x128xf32, #tpu.memory_space<hbm>> -> memref<1x1x1x8x128xf32, #tpu.memory_space<hbm>>
    %dma_wait3A_72 = tpu.memref_squeeze %dma_wait3A_71 : memref<1x1x1x8x128xf32, #tpu.memory_space<hbm>> -> memref<8x128xf32, #tpu.memory_space<hbm>>
    %dma_wait3A_73 = arith.constant 24 : i32
    %dma_wait3A_74 = arith.constant 0 : i32
    %dma_wait3A_75 = tpu.memref_slice %arg8[%dma_wait3A_73, %dma_wait3A_74] : memref<64x129xf32, #tpu.memory_space<vmem>> -> memref<8x128xf32, #tpu.memory_space<vmem>>
    tpu.wait_dma2 semaphore(%arg12 : memref<!tpu.dma_semaphore, #tpu.memory_space<semaphore_mem>>) src(%dma_wait3A_75 : memref<8x128xf32, #tpu.memory_space<vmem>>) dst(%dma_wait3A_72 : memref<8x128xf32, #tpu.memory_space<hbm>>)
    %dma_wait3A_76 = arith.constant 198 : i32
    %dma_wait3A_77 = arith.constant 4 : i32
    %dma_wait3A_78 = arith.constant 32 : i32
    %dma_wait3A_79 = arith.constant 0 : i32
    %dma_wait3A_80 = tpu.memref_slice %arg8[%dma_wait3A_78, %dma_wait3A_79] : memref<64x129xf32, #tpu.memory_space<vmem>> -> memref<8x128xf32, #tpu.memory_space<vmem>>
    %dma_wait3A_81 = arith.constant 0 : i32
    %dma_wait3A_82 = arith.constant 0 : i32
    %dma_wait3A_83 = tpu.memref_slice %arg4[%dma_wait3A_76, %dma_wait3A_77, %add3A, %dma_wait3A_81, %dma_wait3A_82] : memref<200x8x32x8x128xf32, #tpu.memory_space<hbm>> -> memref<1x1x1x8x128xf32, #tpu.memory_space<hbm>>
    %dma_wait3A_84 = tpu.memref_squeeze %dma_wait3A_83 : memref<1x1x1x8x128xf32, #tpu.memory_space<hbm>> -> memref<8x128xf32, #tpu.memory_space<hbm>>
    %dma_wait3A_85 = arith.constant 0 : i32
    %dma_wait3A_86 = arith.constant 0 : i32
    %dma_wait3A_87 = tpu.memref_slice %arg4[%dma_wait3A_76, %dma_wait3A_77, %add3A, %dma_wait3A_85, %dma_wait3A_86] : memref<200x8x32x8x128xf32, #tpu.memory_space<hbm>> -> memref<1x1x1x8x128xf32, #tpu.memory_space<hbm>>
    %dma_wait3A_88 = tpu.memref_squeeze %dma_wait3A_87 : memref<1x1x1x8x128xf32, #tpu.memory_space<hbm>> -> memref<8x128xf32, #tpu.memory_space<hbm>>
    %dma_wait3A_89 = arith.constant 32 : i32
    %dma_wait3A_90 = arith.constant 0 : i32
    %dma_wait3A_91 = tpu.memref_slice %arg8[%dma_wait3A_89, %dma_wait3A_90] : memref<64x129xf32, #tpu.memory_space<vmem>> -> memref<8x128xf32, #tpu.memory_space<vmem>>
    tpu.wait_dma2 semaphore(%arg12 : memref<!tpu.dma_semaphore, #tpu.memory_space<semaphore_mem>>) src(%dma_wait3A_91 : memref<8x128xf32, #tpu.memory_space<vmem>>) dst(%dma_wait3A_88 : memref<8x128xf32, #tpu.memory_space<hbm>>)
    %dma_wait3A_92 = arith.constant 198 : i32
    %dma_wait3A_93 = arith.constant 5 : i32
    %dma_wait3A_94 = arith.constant 40 : i32
    %dma_wait3A_95 = arith.constant 0 : i32
    %dma_wait3A_96 = tpu.memref_slice %arg8[%dma_wait3A_94, %dma_wait3A_95] : memref<64x129xf32, #tpu.memory_space<vmem>> -> memref<8x128xf32, #tpu.memory_space<vmem>>
    %dma_wait3A_97 = arith.constant 0 : i32
    %dma_wait3A_98 = arith.constant 0 : i32
    %dma_wait3A_99 = tpu.memref_slice %arg4[%dma_wait3A_92, %dma_wait3A_93, %add3A, %dma_wait3A_97, %dma_wait3A_98] : memref<200x8x32x8x128xf32, #tpu.memory_space<hbm>> -> memref<1x1x1x8x128xf32, #tpu.memory_space<hbm>>
    %dma_wait3A_100 = tpu.memref_squeeze %dma_wait3A_99 : memref<1x1x1x8x128xf32, #tpu.memory_space<hbm>> -> memref<8x128xf32, #tpu.memory_space<hbm>>
    %dma_wait3A_101 = arith.constant 0 : i32
    %dma_wait3A_102 = arith.constant 0 : i32
    %dma_wait3A_103 = tpu.memref_slice %arg4[%dma_wait3A_92, %dma_wait3A_93, %add3A, %dma_wait3A_101, %dma_wait3A_102] : memref<200x8x32x8x128xf32, #tpu.memory_space<hbm>> -> memref<1x1x1x8x128xf32, #tpu.memory_space<hbm>>
    %dma_wait3A_104 = tpu.memref_squeeze %dma_wait3A_103 : memref<1x1x1x8x128xf32, #tpu.memory_space<hbm>> -> memref<8x128xf32, #tpu.memory_space<hbm>>
    %dma_wait3A_105 = arith.constant 40 : i32
    %dma_wait3A_106 = arith.constant 0 : i32
    %dma_wait3A_107 = tpu.memref_slice %arg8[%dma_wait3A_105, %dma_wait3A_106] : memref<64x129xf32, #tpu.memory_space<vmem>> -> memref<8x128xf32, #tpu.memory_space<vmem>>
    tpu.wait_dma2 semaphore(%arg12 : memref<!tpu.dma_semaphore, #tpu.memory_space<semaphore_mem>>) src(%dma_wait3A_107 : memref<8x128xf32, #tpu.memory_space<vmem>>) dst(%dma_wait3A_104 : memref<8x128xf32, #tpu.memory_space<hbm>>)
    %dma_wait3A_108 = arith.constant 198 : i32
    %dma_wait3A_109 = arith.constant 6 : i32
    %dma_wait3A_110 = arith.constant 48 : i32
    %dma_wait3A_111 = arith.constant 0 : i32
    %dma_wait3A_112 = tpu.memref_slice %arg8[%dma_wait3A_110, %dma_wait3A_111] : memref<64x129xf32, #tpu.memory_space<vmem>> -> memref<8x128xf32, #tpu.memory_space<vmem>>
    %dma_wait3A_113 = arith.constant 0 : i32
    %dma_wait3A_114 = arith.constant 0 : i32
    %dma_wait3A_115 = tpu.memref_slice %arg4[%dma_wait3A_108, %dma_wait3A_109, %add3A, %dma_wait3A_113, %dma_wait3A_114] : memref<200x8x32x8x128xf32, #tpu.memory_space<hbm>> -> memref<1x1x1x8x128xf32, #tpu.memory_space<hbm>>
    %dma_wait3A_116 = tpu.memref_squeeze %dma_wait3A_115 : memref<1x1x1x8x128xf32, #tpu.memory_space<hbm>> -> memref<8x128xf32, #tpu.memory_space<hbm>>
    %dma_wait3A_117 = arith.constant 0 : i32
    %dma_wait3A_118 = arith.constant 0 : i32
    %dma_wait3A_119 = tpu.memref_slice %arg4[%dma_wait3A_108, %dma_wait3A_109, %add3A, %dma_wait3A_117, %dma_wait3A_118] : memref<200x8x32x8x128xf32, #tpu.memory_space<hbm>> -> memref<1x1x1x8x128xf32, #tpu.memory_space<hbm>>
    %dma_wait3A_120 = tpu.memref_squeeze %dma_wait3A_119 : memref<1x1x1x8x128xf32, #tpu.memory_space<hbm>> -> memref<8x128xf32, #tpu.memory_space<hbm>>
    %dma_wait3A_121 = arith.constant 48 : i32
    %dma_wait3A_122 = arith.constant 0 : i32
    %dma_wait3A_123 = tpu.memref_slice %arg8[%dma_wait3A_121, %dma_wait3A_122] : memref<64x129xf32, #tpu.memory_space<vmem>> -> memref<8x128xf32, #tpu.memory_space<vmem>>
    tpu.wait_dma2 semaphore(%arg12 : memref<!tpu.dma_semaphore, #tpu.memory_space<semaphore_mem>>) src(%dma_wait3A_123 : memref<8x128xf32, #tpu.memory_space<vmem>>) dst(%dma_wait3A_120 : memref<8x128xf32, #tpu.memory_space<hbm>>)
    %dma_wait3A_124 = arith.constant 198 : i32
    %dma_wait3A_125 = arith.constant 7 : i32
    %dma_wait3A_126 = arith.constant 56 : i32
    %dma_wait3A_127 = arith.constant 0 : i32
    %dma_wait3A_128 = tpu.memref_slice %arg8[%dma_wait3A_126, %dma_wait3A_127] : memref<64x129xf32, #tpu.memory_space<vmem>> -> memref<8x128xf32, #tpu.memory_space<vmem>>
    %dma_wait3A_129 = arith.constant 0 : i32
    %dma_wait3A_130 = arith.constant 0 : i32
    %dma_wait3A_131 = tpu.memref_slice %arg4[%dma_wait3A_124, %dma_wait3A_125, %add3A, %dma_wait3A_129, %dma_wait3A_130] : memref<200x8x32x8x128xf32, #tpu.memory_space<hbm>> -> memref<1x1x1x8x128xf32, #tpu.memory_space<hbm>>
    %dma_wait3A_132 = tpu.memref_squeeze %dma_wait3A_131 : memref<1x1x1x8x128xf32, #tpu.memory_space<hbm>> -> memref<8x128xf32, #tpu.memory_space<hbm>>
    %dma_wait3A_133 = arith.constant 0 : i32
    %dma_wait3A_134 = arith.constant 0 : i32
    %dma_wait3A_135 = tpu.memref_slice %arg4[%dma_wait3A_124, %dma_wait3A_125, %add3A, %dma_wait3A_133, %dma_wait3A_134] : memref<200x8x32x8x128xf32, #tpu.memory_space<hbm>> -> memref<1x1x1x8x128xf32, #tpu.memory_space<hbm>>
    %dma_wait3A_136 = tpu.memref_squeeze %dma_wait3A_135 : memref<1x1x1x8x128xf32, #tpu.memory_space<hbm>> -> memref<8x128xf32, #tpu.memory_space<hbm>>
    %dma_wait3A_137 = arith.constant 56 : i32
    %dma_wait3A_138 = arith.constant 0 : i32
    %dma_wait3A_139 = tpu.memref_slice %arg8[%dma_wait3A_137, %dma_wait3A_138] : memref<64x129xf32, #tpu.memory_space<vmem>> -> memref<8x128xf32, #tpu.memory_space<vmem>>
    tpu.wait_dma2 semaphore(%arg12 : memref<!tpu.dma_semaphore, #tpu.memory_space<semaphore_mem>>) src(%dma_wait3A_139 : memref<8x128xf32, #tpu.memory_space<vmem>>) dst(%dma_wait3A_136 : memref<8x128xf32, #tpu.memory_space<hbm>>)
    %dma_wait3A_140 = arith.constant 199 : i32
    %dma_wait3A_141 = arith.constant 0 : i32
    %dma_wait3A_142 = arith.constant 0 : i32
    %dma_wait3A_143 = arith.constant 0 : i32
    %dma_wait3A_144 = tpu.memref_slice %arg9[%dma_wait3A_142, %dma_wait3A_143] : memref<64x129xf32, #tpu.memory_space<vmem>> -> memref<8x128xf32, #tpu.memory_space<vmem>>
    %dma_wait3A_145 = arith.constant 0 : i32
    %dma_wait3A_146 = arith.constant 0 : i32
    %dma_wait3A_147 = tpu.memref_slice %arg4[%dma_wait3A_140, %dma_wait3A_141, %add3A, %dma_wait3A_145, %dma_wait3A_146] : memref<200x8x32x8x128xf32, #tpu.memory_space<hbm>> -> memref<1x1x1x8x128xf32, #tpu.memory_space<hbm>>
    %dma_wait3A_148 = tpu.memref_squeeze %dma_wait3A_147 : memref<1x1x1x8x128xf32, #tpu.memory_space<hbm>> -> memref<8x128xf32, #tpu.memory_space<hbm>>
    %dma_wait3A_149 = arith.constant 0 : i32
    %dma_wait3A_150 = arith.constant 0 : i32
    %dma_wait3A_151 = tpu.memref_slice %arg4[%dma_wait3A_140, %dma_wait3A_141, %add3A, %dma_wait3A_149, %dma_wait3A_150] : memref<200x8x32x8x128xf32, #tpu.memory_space<hbm>> -> memref<1x1x1x8x128xf32, #tpu.memory_space<hbm>>
    %dma_wait3A_152 = tpu.memref_squeeze %dma_wait3A_151 : memref<1x1x1x8x128xf32, #tpu.memory_space<hbm>> -> memref<8x128xf32, #tpu.memory_space<hbm>>
    %dma_wait3A_153 = arith.constant 0 : i32
    %dma_wait3A_154 = arith.constant 0 : i32
    %dma_wait3A_155 = tpu.memref_slice %arg9[%dma_wait3A_153, %dma_wait3A_154] : memref<64x129xf32, #tpu.memory_space<vmem>> -> memref<8x128xf32, #tpu.memory_space<vmem>>
    tpu.wait_dma2 semaphore(%arg13 : memref<!tpu.dma_semaphore, #tpu.memory_space<semaphore_mem>>) src(%dma_wait3A_155 : memref<8x128xf32, #tpu.memory_space<vmem>>) dst(%dma_wait3A_152 : memref<8x128xf32, #tpu.memory_space<hbm>>)
    %dma_wait3A_156 = arith.constant 199 : i32
    %dma_wait3A_157 = arith.constant 1 : i32
    %dma_wait3A_158 = arith.constant 8 : i32
    %dma_wait3A_159 = arith.constant 0 : i32
    %dma_wait3A_160 = tpu.memref_slice %arg9[%dma_wait3A_158, %dma_wait3A_159] : memref<64x129xf32, #tpu.memory_space<vmem>> -> memref<8x128xf32, #tpu.memory_space<vmem>>
    %dma_wait3A_161 = arith.constant 0 : i32
    %dma_wait3A_162 = arith.constant 0 : i32
    %dma_wait3A_163 = tpu.memref_slice %arg4[%dma_wait3A_156, %dma_wait3A_157, %add3A, %dma_wait3A_161, %dma_wait3A_162] : memref<200x8x32x8x128xf32, #tpu.memory_space<hbm>> -> memref<1x1x1x8x128xf32, #tpu.memory_space<hbm>>
    %dma_wait3A_164 = tpu.memref_squeeze %dma_wait3A_163 : memref<1x1x1x8x128xf32, #tpu.memory_space<hbm>> -> memref<8x128xf32, #tpu.memory_space<hbm>>
    %dma_wait3A_165 = arith.constant 0 : i32
    %dma_wait3A_166 = arith.constant 0 : i32
    %dma_wait3A_167 = tpu.memref_slice %arg4[%dma_wait3A_156, %dma_wait3A_157, %add3A, %dma_wait3A_165, %dma_wait3A_166] : memref<200x8x32x8x128xf32, #tpu.memory_space<hbm>> -> memref<1x1x1x8x128xf32, #tpu.memory_space<hbm>>
    %dma_wait3A_168 = tpu.memref_squeeze %dma_wait3A_167 : memref<1x1x1x8x128xf32, #tpu.memory_space<hbm>> -> memref<8x128xf32, #tpu.memory_space<hbm>>
    %dma_wait3A_169 = arith.constant 8 : i32
    %dma_wait3A_170 = arith.constant 0 : i32
    %dma_wait3A_171 = tpu.memref_slice %arg9[%dma_wait3A_169, %dma_wait3A_170] : memref<64x129xf32, #tpu.memory_space<vmem>> -> memref<8x128xf32, #tpu.memory_space<vmem>>
    tpu.wait_dma2 semaphore(%arg13 : memref<!tpu.dma_semaphore, #tpu.memory_space<semaphore_mem>>) src(%dma_wait3A_171 : memref<8x128xf32, #tpu.memory_space<vmem>>) dst(%dma_wait3A_168 : memref<8x128xf32, #tpu.memory_space<hbm>>)
    %dma_wait3A_172 = arith.constant 199 : i32
    %dma_wait3A_173 = arith.constant 2 : i32
    %dma_wait3A_174 = arith.constant 16 : i32
    %dma_wait3A_175 = arith.constant 0 : i32
    %dma_wait3A_176 = tpu.memref_slice %arg9[%dma_wait3A_174, %dma_wait3A_175] : memref<64x129xf32, #tpu.memory_space<vmem>> -> memref<8x128xf32, #tpu.memory_space<vmem>>
    %dma_wait3A_177 = arith.constant 0 : i32
    %dma_wait3A_178 = arith.constant 0 : i32
    %dma_wait3A_179 = tpu.memref_slice %arg4[%dma_wait3A_172, %dma_wait3A_173, %add3A, %dma_wait3A_177, %dma_wait3A_178] : memref<200x8x32x8x128xf32, #tpu.memory_space<hbm>> -> memref<1x1x1x8x128xf32, #tpu.memory_space<hbm>>
    %dma_wait3A_180 = tpu.memref_squeeze %dma_wait3A_179 : memref<1x1x1x8x128xf32, #tpu.memory_space<hbm>> -> memref<8x128xf32, #tpu.memory_space<hbm>>
    %dma_wait3A_181 = arith.constant 0 : i32
    %dma_wait3A_182 = arith.constant 0 : i32
    %dma_wait3A_183 = tpu.memref_slice %arg4[%dma_wait3A_172, %dma_wait3A_173, %add3A, %dma_wait3A_181, %dma_wait3A_182] : memref<200x8x32x8x128xf32, #tpu.memory_space<hbm>> -> memref<1x1x1x8x128xf32, #tpu.memory_space<hbm>>
    %dma_wait3A_184 = tpu.memref_squeeze %dma_wait3A_183 : memref<1x1x1x8x128xf32, #tpu.memory_space<hbm>> -> memref<8x128xf32, #tpu.memory_space<hbm>>
    %dma_wait3A_185 = arith.constant 16 : i32
    %dma_wait3A_186 = arith.constant 0 : i32
    %dma_wait3A_187 = tpu.memref_slice %arg9[%dma_wait3A_185, %dma_wait3A_186] : memref<64x129xf32, #tpu.memory_space<vmem>> -> memref<8x128xf32, #tpu.memory_space<vmem>>
    tpu.wait_dma2 semaphore(%arg13 : memref<!tpu.dma_semaphore, #tpu.memory_space<semaphore_mem>>) src(%dma_wait3A_187 : memref<8x128xf32, #tpu.memory_space<vmem>>) dst(%dma_wait3A_184 : memref<8x128xf32, #tpu.memory_space<hbm>>)
    %dma_wait3A_188 = arith.constant 199 : i32
    %dma_wait3A_189 = arith.constant 3 : i32
    %dma_wait3A_190 = arith.constant 24 : i32
    %dma_wait3A_191 = arith.constant 0 : i32
    %dma_wait3A_192 = tpu.memref_slice %arg9[%dma_wait3A_190, %dma_wait3A_191] : memref<64x129xf32, #tpu.memory_space<vmem>> -> memref<8x128xf32, #tpu.memory_space<vmem>>
    %dma_wait3A_193 = arith.constant 0 : i32
    %dma_wait3A_194 = arith.constant 0 : i32
    %dma_wait3A_195 = tpu.memref_slice %arg4[%dma_wait3A_188, %dma_wait3A_189, %add3A, %dma_wait3A_193, %dma_wait3A_194] : memref<200x8x32x8x128xf32, #tpu.memory_space<hbm>> -> memref<1x1x1x8x128xf32, #tpu.memory_space<hbm>>
    %dma_wait3A_196 = tpu.memref_squeeze %dma_wait3A_195 : memref<1x1x1x8x128xf32, #tpu.memory_space<hbm>> -> memref<8x128xf32, #tpu.memory_space<hbm>>
    %dma_wait3A_197 = arith.constant 0 : i32
    %dma_wait3A_198 = arith.constant 0 : i32
    %dma_wait3A_199 = tpu.memref_slice %arg4[%dma_wait3A_188, %dma_wait3A_189, %add3A, %dma_wait3A_197, %dma_wait3A_198] : memref<200x8x32x8x128xf32, #tpu.memory_space<hbm>> -> memref<1x1x1x8x128xf32, #tpu.memory_space<hbm>>
    %dma_wait3A_200 = tpu.memref_squeeze %dma_wait3A_199 : memref<1x1x1x8x128xf32, #tpu.memory_space<hbm>> -> memref<8x128xf32, #tpu.memory_space<hbm>>
    %dma_wait3A_201 = arith.constant 24 : i32
    %dma_wait3A_202 = arith.constant 0 : i32
    %dma_wait3A_203 = tpu.memref_slice %arg9[%dma_wait3A_201, %dma_wait3A_202] : memref<64x129xf32, #tpu.memory_space<vmem>> -> memref<8x128xf32, #tpu.memory_space<vmem>>
    tpu.wait_dma2 semaphore(%arg13 : memref<!tpu.dma_semaphore, #tpu.memory_space<semaphore_mem>>) src(%dma_wait3A_203 : memref<8x128xf32, #tpu.memory_space<vmem>>) dst(%dma_wait3A_200 : memref<8x128xf32, #tpu.memory_space<hbm>>)
    %dma_wait3A_204 = arith.constant 199 : i32
    %dma_wait3A_205 = arith.constant 4 : i32
    %dma_wait3A_206 = arith.constant 32 : i32
    %dma_wait3A_207 = arith.constant 0 : i32
    %dma_wait3A_208 = tpu.memref_slice %arg9[%dma_wait3A_206, %dma_wait3A_207] : memref<64x129xf32, #tpu.memory_space<vmem>> -> memref<8x128xf32, #tpu.memory_space<vmem>>
    %dma_wait3A_209 = arith.constant 0 : i32
    %dma_wait3A_210 = arith.constant 0 : i32
    %dma_wait3A_211 = tpu.memref_slice %arg4[%dma_wait3A_204, %dma_wait3A_205, %add3A, %dma_wait3A_209, %dma_wait3A_210] : memref<200x8x32x8x128xf32, #tpu.memory_space<hbm>> -> memref<1x1x1x8x128xf32, #tpu.memory_space<hbm>>
    %dma_wait3A_212 = tpu.memref_squeeze %dma_wait3A_211 : memref<1x1x1x8x128xf32, #tpu.memory_space<hbm>> -> memref<8x128xf32, #tpu.memory_space<hbm>>
    %dma_wait3A_213 = arith.constant 0 : i32
    %dma_wait3A_214 = arith.constant 0 : i32
    %dma_wait3A_215 = tpu.memref_slice %arg4[%dma_wait3A_204, %dma_wait3A_205, %add3A, %dma_wait3A_213, %dma_wait3A_214] : memref<200x8x32x8x128xf32, #tpu.memory_space<hbm>> -> memref<1x1x1x8x128xf32, #tpu.memory_space<hbm>>
    %dma_wait3A_216 = tpu.memref_squeeze %dma_wait3A_215 : memref<1x1x1x8x128xf32, #tpu.memory_space<hbm>> -> memref<8x128xf32, #tpu.memory_space<hbm>>
    %dma_wait3A_217 = arith.constant 32 : i32
    %dma_wait3A_218 = arith.constant 0 : i32
    %dma_wait3A_219 = tpu.memref_slice %arg9[%dma_wait3A_217, %dma_wait3A_218] : memref<64x129xf32, #tpu.memory_space<vmem>> -> memref<8x128xf32, #tpu.memory_space<vmem>>
    tpu.wait_dma2 semaphore(%arg13 : memref<!tpu.dma_semaphore, #tpu.memory_space<semaphore_mem>>) src(%dma_wait3A_219 : memref<8x128xf32, #tpu.memory_space<vmem>>) dst(%dma_wait3A_216 : memref<8x128xf32, #tpu.memory_space<hbm>>)
    %dma_wait3A_220 = arith.constant 199 : i32
    %dma_wait3A_221 = arith.constant 5 : i32
    %dma_wait3A_222 = arith.constant 40 : i32
    %dma_wait3A_223 = arith.constant 0 : i32
    %dma_wait3A_224 = tpu.memref_slice %arg9[%dma_wait3A_222, %dma_wait3A_223] : memref<64x129xf32, #tpu.memory_space<vmem>> -> memref<8x128xf32, #tpu.memory_space<vmem>>
    %dma_wait3A_225 = arith.constant 0 : i32
    %dma_wait3A_226 = arith.constant 0 : i32
    %dma_wait3A_227 = tpu.memref_slice %arg4[%dma_wait3A_220, %dma_wait3A_221, %add3A, %dma_wait3A_225, %dma_wait3A_226] : memref<200x8x32x8x128xf32, #tpu.memory_space<hbm>> -> memref<1x1x1x8x128xf32, #tpu.memory_space<hbm>>
    %dma_wait3A_228 = tpu.memref_squeeze %dma_wait3A_227 : memref<1x1x1x8x128xf32, #tpu.memory_space<hbm>> -> memref<8x128xf32, #tpu.memory_space<hbm>>
    %dma_wait3A_229 = arith.constant 0 : i32
    %dma_wait3A_230 = arith.constant 0 : i32
    %dma_wait3A_231 = tpu.memref_slice %arg4[%dma_wait3A_220, %dma_wait3A_221, %add3A, %dma_wait3A_229, %dma_wait3A_230] : memref<200x8x32x8x128xf32, #tpu.memory_space<hbm>> -> memref<1x1x1x8x128xf32, #tpu.memory_space<hbm>>
    %dma_wait3A_232 = tpu.memref_squeeze %dma_wait3A_231 : memref<1x1x1x8x128xf32, #tpu.memory_space<hbm>> -> memref<8x128xf32, #tpu.memory_space<hbm>>
    %dma_wait3A_233 = arith.constant 40 : i32
    %dma_wait3A_234 = arith.constant 0 : i32
    %dma_wait3A_235 = tpu.memref_slice %arg9[%dma_wait3A_233, %dma_wait3A_234] : memref<64x129xf32, #tpu.memory_space<vmem>> -> memref<8x128xf32, #tpu.memory_space<vmem>>
    tpu.wait_dma2 semaphore(%arg13 : memref<!tpu.dma_semaphore, #tpu.memory_space<semaphore_mem>>) src(%dma_wait3A_235 : memref<8x128xf32, #tpu.memory_space<vmem>>) dst(%dma_wait3A_232 : memref<8x128xf32, #tpu.memory_space<hbm>>)
    %dma_wait3A_236 = arith.constant 199 : i32
    %dma_wait3A_237 = arith.constant 6 : i32
    %dma_wait3A_238 = arith.constant 48 : i32
    %dma_wait3A_239 = arith.constant 0 : i32
    %dma_wait3A_240 = tpu.memref_slice %arg9[%dma_wait3A_238, %dma_wait3A_239] : memref<64x129xf32, #tpu.memory_space<vmem>> -> memref<8x128xf32, #tpu.memory_space<vmem>>
    %dma_wait3A_241 = arith.constant 0 : i32
    %dma_wait3A_242 = arith.constant 0 : i32
    %dma_wait3A_243 = tpu.memref_slice %arg4[%dma_wait3A_236, %dma_wait3A_237, %add3A, %dma_wait3A_241, %dma_wait3A_242] : memref<200x8x32x8x128xf32, #tpu.memory_space<hbm>> -> memref<1x1x1x8x128xf32, #tpu.memory_space<hbm>>
    %dma_wait3A_244 = tpu.memref_squeeze %dma_wait3A_243 : memref<1x1x1x8x128xf32, #tpu.memory_space<hbm>> -> memref<8x128xf32, #tpu.memory_space<hbm>>
    %dma_wait3A_245 = arith.constant 0 : i32
    %dma_wait3A_246 = arith.constant 0 : i32
    %dma_wait3A_247 = tpu.memref_slice %arg4[%dma_wait3A_236, %dma_wait3A_237, %add3A, %dma_wait3A_245, %dma_wait3A_246] : memref<200x8x32x8x128xf32, #tpu.memory_space<hbm>> -> memref<1x1x1x8x128xf32, #tpu.memory_space<hbm>>
    %dma_wait3A_248 = tpu.memref_squeeze %dma_wait3A_247 : memref<1x1x1x8x128xf32, #tpu.memory_space<hbm>> -> memref<8x128xf32, #tpu.memory_space<hbm>>
    %dma_wait3A_249 = arith.constant 48 : i32
    %dma_wait3A_250 = arith.constant 0 : i32
    %dma_wait3A_251 = tpu.memref_slice %arg9[%dma_wait3A_249, %dma_wait3A_250] : memref<64x129xf32, #tpu.memory_space<vmem>> -> memref<8x128xf32, #tpu.memory_space<vmem>>
    tpu.wait_dma2 semaphore(%arg13 : memref<!tpu.dma_semaphore, #tpu.memory_space<semaphore_mem>>) src(%dma_wait3A_251 : memref<8x128xf32, #tpu.memory_space<vmem>>) dst(%dma_wait3A_248 : memref<8x128xf32, #tpu.memory_space<hbm>>)
    %dma_wait3A_252 = arith.constant 199 : i32
    %dma_wait3A_253 = arith.constant 7 : i32
    %dma_wait3A_254 = arith.constant 56 : i32
    %dma_wait3A_255 = arith.constant 0 : i32
    %dma_wait3A_256 = tpu.memref_slice %arg9[%dma_wait3A_254, %dma_wait3A_255] : memref<64x129xf32, #tpu.memory_space<vmem>> -> memref<8x128xf32, #tpu.memory_space<vmem>>
    %dma_wait3A_257 = arith.constant 0 : i32
    %dma_wait3A_258 = arith.constant 0 : i32
    %dma_wait3A_259 = tpu.memref_slice %arg4[%dma_wait3A_252, %dma_wait3A_253, %add3A, %dma_wait3A_257, %dma_wait3A_258] : memref<200x8x32x8x128xf32, #tpu.memory_space<hbm>> -> memref<1x1x1x8x128xf32, #tpu.memory_space<hbm>>
    %dma_wait3A_260 = tpu.memref_squeeze %dma_wait3A_259 : memref<1x1x1x8x128xf32, #tpu.memory_space<hbm>> -> memref<8x128xf32, #tpu.memory_space<hbm>>
    %dma_wait3A_261 = arith.constant 0 : i32
    %dma_wait3A_262 = arith.constant 0 : i32
    %dma_wait3A_263 = tpu.memref_slice %arg4[%dma_wait3A_252, %dma_wait3A_253, %add3A, %dma_wait3A_261, %dma_wait3A_262] : memref<200x8x32x8x128xf32, #tpu.memory_space<hbm>> -> memref<1x1x1x8x128xf32, #tpu.memory_space<hbm>>
    %dma_wait3A_264 = tpu.memref_squeeze %dma_wait3A_263 : memref<1x1x1x8x128xf32, #tpu.memory_space<hbm>> -> memref<8x128xf32, #tpu.memory_space<hbm>>
    %dma_wait3A_265 = arith.constant 56 : i32
    %dma_wait3A_266 = arith.constant 0 : i32
    %dma_wait3A_267 = tpu.memref_slice %arg9[%dma_wait3A_265, %dma_wait3A_266] : memref<64x129xf32, #tpu.memory_space<vmem>> -> memref<8x128xf32, #tpu.memory_space<vmem>>
    tpu.wait_dma2 semaphore(%arg13 : memref<!tpu.dma_semaphore, #tpu.memory_space<semaphore_mem>>) src(%dma_wait3A_267 : memref<8x128xf32, #tpu.memory_space<vmem>>) dst(%dma_wait3A_264 : memref<8x128xf32, #tpu.memory_space<hbm>>)
    return
  }
}

</mosaic_0001>

<sc_bundles>
// kernel: kernel.3.cloned.1.call-start
scs
__scs_entry_jumppad:
0x0: {  	(pc) =	sbr.rel $0x88, $3  }
0x1: {  	(tag) =	ssettag $0x0;
	lr =	simm.s32 $0x1  }
0x2: {  	[smem:$0x3F9F] =	sst lr;
	_ =	strace $0xD0000000  }
0x3: {  	_ = 	snop  }
0x4: {  	_ = 	snop  }
0x5: {  	_ = 	snop  }
0x6: {  	_ = 	snop  }
0x7: {  	_ = 	snop  }
__scs_overlays_trampoline_lowered:
0x8: {  	[smem:$0x3FAE] =	sst s0  }
0x9: {  	[smem:$0x3FAF] =	sst s1  }
0xa: {  	[smem:$0x3FB0] =	sst s2  }
0xb: {  	[smem:$0x3FB1] =	sst s3  }
0xc: {  	[smem:$0x3FB2] =	sst s4  }
0xd: {  	[smem:$0x3FB3] =	sst s5  }
0xe: {  	[smem:$0x3FB4] =	sst s6  }
0xf: {  	[smem:$0x3FB5] =	sst s7  }
0x10: {  	[smem:$0x3FB6] =	sst s8  }
0x11: {  	[smem:$0x3FB7] =	sst s9;
	s0 =	simm.s32 @!p0 $0x0  }
0x12: {  	s1 =	sld [smem:$0x3F9D];
	s0 =	simm.s32 @p0 $0x1  }
0x13: {  	[smem:$0x3FB8] =	sst s0;
	s0 =	simm.s32 @!p1 $0x0  }
0x14: {  	s2 =	sld [smem:$0x3F9C];
	s0 =	simm.s32 @p1 $0x1  }
0x15: {  	[smem:$0x3FB9] =	sst s0;
	s0 =	simm.s32 @!p2 $0x0  }
0x16: {  	s3 =	sld [smem:$0x3FDB];
	s0 =	simm.s32 @p2 $0x1  }
0x17: {  	s4 =	simm.s32 $0x1BF5;
	[smem:$0x3FBB] =	sst s0  }
0x18: {  	s0 =	sld [smem:$0x3F9E];
	_ =	swait.ge [sflag:s4], $0x0  }
0x19: {  	s7 =	sld [smem:$0x3F9F]  }
0x1a: {  	s8 =	sadd.s32 $0xFFFFE003, lr  }
0x1b: {  	s9 =	sadd.s32 $0xFFFFFEF7, lr;
	s5 =	simm.s32 $0xFFFFFFFF;
	p2 =	slt.u32 s8, $0xFFFFF086  }
0x1c: {  	p1 =	slt.u32 s9, $0xF7A;
	s5 =	simm.s32 @!p2 $0x0  }
0x1d: {  	s5 =	simm.s32 @p1 $0x1;
	p0 =	seq.s32 s7, s2  }
0x1e: {  	s7 =	smul.u32 @!p0 $0xF7A, s2;
	p2 =	seq.s32 @!p0 s5, $0x0  }
0x1f: {  	s9 =	smul.u32 $0xF7A, s1;
	s8 =	simm.s32 @!p0 $0x1BF5;
	p2 =	por !p2, p0  }
0x20: {  	[sflag:s8] =	ssyncset.s32 @!p0 $0xFFFFF086;
	s6 =	sadd.s32 @!p0 s3, s7;
	s7 =	simm.s32 @!p0 $0x108  }
0x21: {  	s3 =	sadd.s32 s3, s9;
	s6 =	sadd.s32 @!p0 $0x88, s6;
	s7 =	simm.s32 @p2 $0x1082  }
0x22: {  	[simem:s7], [sflag:s8] =	dma.local @!p0 [hbm:s6], $0xF7A  }
0x23: {  	s9 =	sor.u32 $0xD0000000, s2;
	s6 =	simm.s32 $0x108;
	_ =	swait.ge @!p0 [sflag:s8], $0x0  }
0x24: {  	s3 =	sadd.s32 $0x88, s3;
	s6 =	simm.s32 @!p1 $0x1082;
	[sflag:s4] =	ssyncset.s32 $0xFFFFF086  }
0x25: {  	[simem:s6], [sflag:s4] =	dma.local [hbm:s3], $0xF7A  }
0x26: {  	[smem:$0x3F9F] =	sst s1;
	(tag) =	ssettag s2;
	_ =	strace s9  }
0x27: {  	s1 =	sld [smem:$0x3FAF]  }
0x28: {  	s2 =	sld [smem:$0x3FB0]  }
0x29: {  	s4 =	sld [smem:$0x3FB2]  }
0x2a: {  	p0 =	seq.s32 s5, $0x0;
	s5 =	sld [smem:$0x3FB3]  }
0x2b: {  	s6 =	sld [smem:$0x3FB4]  }
0x2c: {  	s7 =	sld [smem:$0x3FB5]  }
0x2d: {  	s3 =	simm.s32 $0x108;
	s8 =	sld [smem:$0x3FB6]  }
0x2e: {  	s3 =	simm.s32 @!p0 $0x1082;
	s9 =	sld [smem:$0x3FB7]  }
0x2f: {  	lr =	sadd.s32 s0, s3;
	s0 =	sld [smem:$0x3FAE]  }
0x30: {  	s3 =	sld [smem:$0x3FB1]  }
0x31: {  	[smem:$0x3FBA] =	sst s10  }
0x32: {  	s10 =	sld [smem:$0x3FB8];
	_ =	sdelay $0x3  }
0x33: {  	p0 =	seq.s32 s10, $0x1;
	s10 =	sld [smem:$0x3FBA];
	_ =	sdelay $0x3  }
0x34: {  	[smem:$0x3FBA] =	sst s10  }
0x35: {  	s10 =	sld [smem:$0x3FB9];
	_ =	sdelay $0x3  }
0x36: {  	p1 =	seq.s32 s10, $0x1;
	s10 =	sld [smem:$0x3FBA];
	_ =	sdelay $0x3  }
0x37: {  	[smem:$0x3FBA] =	sst s10  }
0x38: {  	s10 =	sld [smem:$0x3FBB]  }
0x39: {  	_ = 	snop;
	(pc) =	sbr.ind lr, $3  }
0x3a: {  	_ = 	snop  }
0x3b: {  	_ = 	snop  }
0x3c: {  	p2 =	seq.s32 s10, $0x1;
	s10 =	sld [smem:$0x3FBA]  }
0x3d: {  	_ =	shalt  }
0x3e: {  	_ =	shalt  }
0x3f: {  	_ =	shalt  }
0x40: {  	_ =	shalt  }
0x41: {  	_ =	shalt  }
0x42: {  	_ =	shalt  }
0x43: {  	_ =	shalt  }
0x44: {  	_ =	shalt  }
0x45: {  	_ =	shalt  }
0x46: {  	_ =	shalt  }
0x47: {  	_ =	shalt  }
0x48: {  	_ =	shalt  }
0x49: {  	_ =	shalt  }
0x4a: {  	_ =	shalt  }
0x4b: {  	_ =	shalt  }
0x4c: {  	_ =	shalt  }
0x4d: {  	_ =	shalt  }
0x4e: {  	_ =	shalt  }
0x4f: {  	_ =	shalt  }
0x50: {  	_ =	shalt  }
0x51: {  	_ =	shalt  }
0x52: {  	_ =	shalt  }
0x53: {  	_ =	shalt  }
0x54: {  	_ =	shalt  }
0x55: {  	_ =	shalt  }
0x56: {  	_ =	shalt  }
0x57: {  	_ =	shalt  }
0x58: {  	_ =	shalt  }
0x59: {  	_ =	shalt  }
0x5a: {  	_ =	shalt  }
0x5b: {  	_ =	shalt  }
0x5c: {  	_ =	shalt  }
0x5d: {  	_ =	shalt  }
0x5e: {  	_ =	shalt  }
0x5f: {  	_ =	shalt  }
0x60: {  	_ =	shalt  }
0x61: {  	_ =	shalt  }
0x62: {  	_ =	shalt  }
0x63: {  	_ =	shalt  }
0x64: {  	_ =	shalt  }
0x65: {  	_ =	shalt  }
0x66: {  	_ =	shalt  }
0x67: {  	_ =	shalt  }
0x68: {  	_ =	shalt  }
0x69: {  	_ =	shalt  }
0x6a: {  	_ =	shalt  }
0x6b: {  	_ =	shalt  }
0x6c: {  	_ =	shalt  }
0x6d: {  	_ =	shalt  }
0x6e: {  	_ =	shalt  }
0x6f: {  	_ =	shalt  }
0x70: {  	_ =	shalt  }
0x71: {  	_ =	shalt  }
0x72: {  	_ =	shalt  }
0x73: {  	_ =	shalt  }
0x74: {  	_ =	shalt  }
0x75: {  	_ =	shalt  }
0x76: {  	_ =	shalt  }
0x77: {  	_ =	shalt  }
0x78: {  	_ =	shalt  }
0x79: {  	_ =	shalt  }
0x7a: {  	_ =	shalt  }
0x7b: {  	_ =	shalt  }
0x7c: {  	_ =	shalt  }
0x7d: {  	_ =	shalt  }
0x7e: {  	_ =	shalt  }
0x7f: {  	_ =	shalt  }
0x80: {  	_ =	shalt  }
0x81: {  	_ =	shalt  }
0x82: {  	_ =	shalt  }
0x83: {  	_ =	shalt  }
0x84: {  	_ =	shalt  }
0x85: {  	_ =	shalt  }
0x86: {  	_ =	shalt  }
0x87: {  	_ =	shalt  }
.Lfunc_end0:
.L_simem_size_0:
called_computation_lowered:
.L_overlay_start_0:
0x88: {  	s2 =	sld [smem:$0x3FD9]  }
0x89: {  	s3 =	sld [smem:$0x3FFE];
	_ =	sdelay $0x1  }
0x8a: {  	s1 =	srdreg.scid  }
0x8b: {  	s0 =	sand.u32 $0x1, s1  }
0x8c: {  	s17 =	sshll.u32 s0, $0xA;
	s2 =	sadd.s32 s3, s2  }
0x8d: {  	s2 =	sadd.s32 s2, s17  }
0x8e: {  	[smem:$0x3FC6] =	sst s2  }
0x8f: {  	_ = 	snop  }
0x90: {  	s2 =	sld [smem:$0x3FD0];
	(tm) =	ssettm $0x1  }
0x91: {  	s18 =	sld [smem:$0x3FFB];
	_ =	sdelay $0x3  }
0x92: {  	_ =	strace s18  }
0x93: {  	s3 =	sld [smem:$0x3FFC];
	_ =	sdelay $0x3  }
0x94: {  	_ =	strace s3  }
0x95: {  	s3 =	sld [smem:$0x3FFD];
	_ =	sdelay $0x3  }
0x96: {  	_ =	strace s3  }
0x97: {  	_ =	strace $0x8FFFFFFF  }
0x98: {  	s19 =	sld [smem:$0x3FDB];
	_ =	sdelay $0x1  }
0x99: {  	s4 =	simm.s32 $_scs_section_size  }
0x9a: {  	s5 =	simm.s32 $_size__tile_overlayer_lowered;
	s6 =	simm.s32 $_tile_overlayer_lowered  }
0x9b: {  	s22 =	simm.s32 $0x1BFF;
	s21 =	sshll.u32 s6, $0x1;
	s3 =	sadd.s32 s4, s19  }
0x9c: {  	s7 =	simm.s32 $0x0;
	s20 =	sshll.u32 s5, $0x1;
	s5 =	sadd.s32 s21, s3  }
0x9d: {  	[timem:s7], [sflag:s22] =	dma.local [hbm:s5], s20  }
0x9e: {  	_ =	swait.ge [sflag:s22], s20  }
0x9f: {  	s4 =	ssub.s32 $0x0, s20;
	[sflag:s22] =	ssyncset.done $0x0  }
0xa0: {  	[sflag:s22] =	ssyncadd.s32 s4;
	_ =	sdelay $0x1  }
0xa1: {  	s23 =	simm.s32 $0x1B8B  }
0xa2: {  	_ =	swait.ge [sflag:s23], $0x1  }
0xa3: {  	[sflag:s23] =	ssyncset.done $0x0  }
0xa4: {  	s25 =	simm.s32 $0x1B8E;
	s24 =	sld [smem:$0x3FFE];
	[sflag:s23] =	ssyncadd.s32 $0xFFFFFFFF  }
0xa5: {  	s26 =	simm.s32 $execute0_lowered;
	[smem:$0x3FD2] =	sst s25  }
0xa6: {  	s5 =	sshll.u32 s26, $0x1;
	_ =	strace $0x80000046;
	[dreg:$0x1] =	wrdreg $0xFFFFFFFF  }
0xa7: {  	s28 =	simm.s32 $_size_execute0_lowered;
	s3 =	sadd.s32 s3, s5;
	[dreg:$0x0] =	wrdreg $0x0  }
0xa8: {  	s5 =	sshll.u32 s28, $0x1;
	[dreg:$0x2] =	wrdreg s3  }
0xa9: {  	[dreg:$0x3] =	wrdreg s5  }
0xaa: {  	[dreg:$0x4] =	wrdreg $0xC0  }
0xab: {  	_ =	task [dreg:s7], $0x5FFFF  }
0xac: {  	[dreg:$0x1] =	wrdreg $0xFFFFFFFF  }
0xad: {  	[dreg:$0x0] =	wrdreg $0x60  }
0xae: {  	[dreg:$0x2] =	wrdreg s24  }
0xaf: {  	[dreg:$0x3] =	wrdreg s2  }
0xb0: {  	[dreg:$0x4] =	wrdreg $0x9  }
0xb1: {  	_ =	task.clear_ibuf [dreg:s7], $0x5FFFF;
	_ =	strace $0x90000046  }
0xb2: {  	s29 =	simm.s32 $0x9;
	_ =	strace $0x80000048  }
0xb3: {  	_ =	swait.ge [sflag:s29], $0x1  }
0xb4: {  	[sflag:s29] =	ssyncadd.s32 $0xFFFFFFFF  }
0xb5: {  	_ =	strace $0x90000048  }
0xb6: {  	_ =	sfence  }
0xb7: {  	s30 =	sld [smem:$0x0];
	_ =	sdelay $0x2  }
0xb8: {  	s31 =	sshll.u32 s1, $0xD;
	s1 =	sshrl.u32 s1, $0x2  }
0xb9: {  	s3 =	sand.u32 $0x4000, s31;
	s1 =	sadd.s32 s1, s30  }
0xba: {  	s0 =	sor.u32 s3, s0;
	s1 =	sshll.u32 s1, $0x11  }
0xbb: {  	s0 =	sor.u32 s1, s0  }
0xbc: {  	s0 =	sadd.s32 $0x8F2B, s0  }
0xbd: {  	[sflag:s0] =	ssyncadd.remote.s32 $0x1  }
0xbe: {  	_ =	sfence.sel $0xFFFF  }
0xbf: {  	[dreg:$0x0] =	wrdreg $0xFFFFFFFF;
	(pc) =	sbr.abs _section_cstart, $3  }
0xc0: {  	[dreg:$0x1] =	wrdreg $0xFFFFFFFF  }
0xc1: {  	_ =	task.clear_ibuf [dreg:s7], $0x2FFFF;
	_ =	strace $0x9FFFFFFF  }
0xc2: {  	(tm) =	ssettm $0x7FFFFFFF  }
0xc3: {  	_ =	shalt  }
tec
execute0_lowered:
.L_overlay_start_1:
0x0: {  	(tag) =	ssettag $0x1  }
0x1: {  	s0 =	rddreg [dreg:$0x0];
	s1 =	srdreg.scid  }
0x2: {  	s3 =	stileid.u32;
	s2 =	rddreg [dreg:$0x1];
	v0 =	vlaneseq.u32  }
0x3: {  	s15 =	simm.s32 $0x80;
	s20 =	simm.s32 $0x1;
	s21 =	simm.s32 $0xA400;
	v0 =	vmul.u32 $0x88, v0  }
0x4: {  	s14 =	simm.s32 $0x4;
	s17 =	simm.s32 $0xC600;
	v1 =	vimm.s32 $0x0;
	vm0 =	vcmask $0x300;
	s16 =	simm.s32 $0xE3C0  }
0x5: {  	s18 =	simm.s32 $0xE448;
	s19 =	simm.s32 $0xE4D0;
	s22 =	simm.s32 $0xE558;
	v1 =	vsel vm0, $0x3, v1;
	v2 =	vadd.s32 $0x880, v0  }
0x6: {  	s23 =	simm.s32 $0xE5E0;
	s24 =	simm.s32 $0xE668;
	s25 =	simm.s32 $0xE6F0;
	v3 =	vadd.s32 $0x1100, v0;
	v4 =	vadd.s32 $0x1980, v0;
	v5 =	vor.u32 $0x1, v0  }
0x7: {  	s26 =	simm.s32 $0xE778;
	s1 =	sand.u32 $0x1, s1;
	s4 =	sshll.u32 s3, $0x1;
	v6 =	vadd.s32 $0x881, v0;
	v7 =	vadd.s32 $0x1101, v0;
	v8 =	vadd.s32 $0x1981, v0  }
0x8: {  	s3 =	simm.s32 $0x0;
	s8 =	sadd.s32 $0x2000, s2;
	s9 =	sadd.s32 $0x3000, s2;
	v9 =	vor.u32 $0x2, v0;
	v10 =	vadd.s32 $0x882, v0;
	v11 =	vadd.s32 $0x1102, v0  }
0x9: {  	s10 =	sadd.s32 $0x4000, s2;
	s11 =	sadd.s32 $0x5000, s2;
	s12 =	sadd.s32 $0x6000, s2;
	v12 =	vadd.s32 $0x1982, v0;
	v13 =	vor.u32 $0x3, v0;
	v14 =	vadd.s32 $0x883, v0  }
0xa: {  	s13 =	sadd.s32 $0x7000, s2;
	s5 =	sor.u32 s1, s4;
	[smem:$0x7FF] =	sst s3;
	v15 =	vadd.s32 $0x1103, v0;
	v16 =	vadd.s32 $0x1983, v0;
	v17 =	vor.u32 $0x4, v0  }
0xb: {  	s1 =	ssub.s32 $0x2, s1;
	s4 =	sshll.u32 s5, $0x4;
	_ =	strace $0x80000047;
	v18 =	vadd.s32 $0x884, v0;
	v19 =	vadd.s32 $0x1104, v0;
	v20 =	vadd.s32 $0x1984, v0  }
0xc: {  	s7 =	sshrl.u32 s1, $0x1;
	v21 =	vor.u32 $0x5, v0;
	v22 =	vadd.s32 $0x885, v0;
	v23 =	vadd.s32 $0x1105, v0;
	s6 =	sadd.s32 s4, s0;
	s4 =	sadd.s32 $0xF42A00, s0  }
0xd: {  	v24 =	vadd.s32 $0x1985, v0;
	v25 =	vor.u32 $0x6, v0;
	v26 =	vadd.s32 $0x886, v0;
	s30 =	ssub.s32 s1, s7;
	s7 =	sadd.s32 $0x1000, s2;
	s31 =	sadd.s32 $0x600, s6  }
0xe: {  	v27 =	vadd.s32 $0x1106, v0;
	v28 =	vadd.s32 $0x1986, v0;
	v29 =	vor.u32 $0x7, v0;
	s1 =	simm.s32 $0x0;
	s0 =	smax.u32 s30, $0x1;
	[dreg:$0x3] =	wrdreg s31  }
0xf: {  	v30 =	vadd.s32 $0x887, v0;
	v31 =	vadd.s32 $0x1107, v0;
	v32 =	vadd.s32 $0x1987, v0;
	s6 =	sshll.u32 s5, $0xA;
	s5 =	simm.s32 $0x2;
	[dreg:$0x4] =	wrdreg s0  }
.LBB2_1:
0x10: {  	[dreg:$0x5] =	wrdreg s1  }
0x11: {  	s0 =	rddreg [dreg:$0x3];
	s29 =	simm.s32 $0x1000;
	s30 =	simm.s32 $0x5  }
0x12: {  	[tilespmem:s3], [sflag:$0x5] =	stream.strided.gather [hbm4b:s0+s15], $0x6400, s29, s15, $0x38;
	[tilespmem:$0xE800] =	vst v63  }
0x13: {  	_ =	swait.ge [sflag:s30], $0x6400  }
0x14: {  	[sflag:s30] =	ssyncset.done $0x0  }
0x15: {  	s31 =	simm.s32 $0x6400;
	s28 =	simm.s32 $0x0;
	[sflag:s30] =	ssyncadd.s32 $0xFFFF9C00  }
0x16: {  	[tilespmem:s31], [sflag:$0x1] =	stream.indirect.gather [hbm4b:s4+s15], $0x40, s3, s15, $0xb8;
	[tilespmem:$0xE800] =	vst v63  }
.LBB2_2:
0x17: {  	s29 =	sshllo.u32 s28, $0x1  }
0x18: {  	s1 =	sshll.u32 s29, $0x7  }
0x19: {  	s0 =	simm.s32 $0x8400;
	s1 =	sand.u32 $0x3FFFFF80, s1  }
0x1a: {  	[tilespmem:s0], [sflag:$0x2] =	stream.indirect.gather [hbm4b:s4+s15], $0x40, s1, s15, $0xb8;
	[tilespmem:$0xE800] =	vst v63  }
0x1b: {  	_ =	swait.ge [sflag:s20], $0x2000  }
0x1c: {  	p0 =	seq.s32 s28, $0x0;
	[sflag:s20] =	ssyncset.done $0x0  }
0x1d: {  	s1 =	simm.s32 @!p0 $0x3;
	[sflag:s20] =	ssyncadd.s32 $0xFFFFE000  }
0x1e: {  	_ =	swait.ge @!p0 [sflag:s1], $0x400  }
0x1f: {  	[sflag:s1] =	ssyncset.done @!p0 $0x0  }
0x20: {  	[sflag:s1] =	ssyncadd.s32 @!p0 $0xFFFFFC00  }
0x21: {  	_ =	swait.ge @!p0 [sflag:s1], $0x400  }
0x22: {  	[sflag:s1] =	ssyncset.done @!p0 $0x0  }
0x23: {  	[sflag:s1] =	ssyncadd.s32 @!p0 $0xFFFFFC00  }
0x24: {  	_ =	swait.ge @!p0 [sflag:s1], $0x400  }
0x25: {  	[sflag:s1] =	ssyncset.done @!p0 $0x0  }
0x26: {  	[sflag:s1] =	ssyncadd.s32 @!p0 $0xFFFFFC00  }
0x27: {  	_ =	swait.ge @!p0 [sflag:s1], $0x400  }
0x28: {  	[sflag:s1] =	ssyncset.done @!p0 $0x0  }
0x29: {  	[sflag:s1] =	ssyncadd.s32 @!p0 $0xFFFFFC00  }
0x2a: {  	_ =	swait.ge @!p0 [sflag:s1], $0x400  }
0x2b: {  	[sflag:s1] =	ssyncset.done @!p0 $0x0  }
0x2c: {  	[sflag:s1] =	ssyncadd.s32 @!p0 $0xFFFFFC00  }
0x2d: {  	s30 =	simm.s32 $0x0;
	_ =	swait.ge @!p0 [sflag:s1], $0x400  }
0x2e: {  	s31 =	simm.s32 $0x2;
	v33 =	vmov s30;
	s30 =	simm.s32 $0x1;
	[sflag:s1] =	ssyncset.done @!p0 $0x0  }
0x2f: {  	v35 =	vmov s31;
	v34 =	vmov s30;
	s30 =	simm.s32 $0x7;
	[sflag:s1] =	ssyncadd.s32 @!p0 $0xFFFFFC00  }
0x30: {  	v33 =	vshrl.u32 v33, $0x3;
	v35 =	vshrl.u32 v35, $0x3;
	v38 =	vmov s30;
	_ =	swait.ge @!p0 [sflag:s1], $0x400  }
0x31: {  	s0 =	simm.s32 $0x3;
	v33 =	vshll.u32 v33, v1;
	v34 =	vshrl.u32 v34, $0x3;
	v52 =	vshll.u32 v35, v1;
	[sflag:s1] =	ssyncset.done @!p0 $0x0  }
0x32: {  	v36 =	vmov s0;
	v38 =	vshrl.u32 v38, $0x3;
	v33 =	vbroadcast v33, $0x0;
	[sflag:s1] =	ssyncadd.s32 @!p0 $0xFFFFFC00  }
0x33: {  	s0 =	simm.s32 $0x4;
	v34 =	vshll.u32 v34, v1;
	v52 =	vbroadcast v52, $0x0;
	v38 =	vshll.u32 v38, v1;
	_ =	swait.ge @!p0 [sflag:s1], $0x400  }
0x34: {  	v37 =	vmov s0;
	s0 =	simm.s32 $0x5;
	v36 =	vshrl.u32 v36, $0x3;
	v38 =	vbroadcast v38, $0x0;
	[sflag:s1] =	ssyncset.done @!p0 $0x0  }
0x35: {  	s30 =	simm.s32 $0x6500;
	v45 =	vbroadcast v34, $0x0;
	v39 =	vmov s0;
	v37 =	vshrl.u32 v37, $0x3;
	[sflag:s1] =	ssyncadd.s32 @!p0 $0xFFFFFC00  }
0x36: {  	s0 =	simm.s32 $0x6;
	v44 =	vadd.s32 v0, v33;
	v53 =	vshll.u32 v36, v1;
	v42 =	vadd.s32 v29, v38;
	v41 =	vld [tilespmem:s30+$0xC0]  }
0x37: {  	v49 =	vadd.s32 v9, v52;
	v40 =	vmov s0;
	v47 =	vadd.s32 v5, v45;
	v43 =	vld [tilespmem:s30+$0xFFFFFF00]  }
0x38: {  	v35 =	vbroadcast v53, $0x0;
	v54 =	vshll.u32 v37, v1;
	v55 =	vshrl.u32 v39, $0x3;
	v46 =	vld [tilespmem:s30+$0xFFFFFF40]  }
0x39: {  	v34 =	vbroadcast v54, $0x0;
	v36 =	vshll.u32 v55, v1;
	v40 =	vshrl.u32 v40, $0x3;
	v48 =	vld [tilespmem:s30+$0xFFFFFF80]  }
0x3a: {  	v50 =	vadd.s32 v13, v35;
	v37 =	vbroadcast v36, $0x0;
	v56 =	vshll.u32 v40, v1;
	v39 =	vld [tilespmem:s30+$0xFFFFFFC0]  }
0x3b: {  	v53 =	vadd.s32 v17, v34;
	v36 =	vbroadcast v56, $0x0;
	v51 =	vld [tilespmem:s30+$0x0];
	[tilespmem:v42+s21+$0x0] =	vst.idx.msk $0xffff, v41  }
0x3c: {  	v60 =	vadd.s32 v21, v37;
	v59 =	vld [tilespmem:s30+$0x40];
	[tilespmem:v44+s21+$0x0] =	vst.idx.msk $0xffff, v43  }
0x3d: {  	v62 =	vadd.s32 v25, v36;
	v61 =	vld [tilespmem:s30+$0x80];
	[tilespmem:v47+s21+$0x0] =	vst.idx.msk $0xffff, v46  }
0x3e: {  	v58 =	vadd.s32 v30, v38;
	[tilespmem:v49+s21+$0x0] =	vst.idx.msk $0xffff, v48;
	v57 =	vld [tilespmem:s30+$0xD0]  }
0x3f: {  	v63 =	vadd.s32 v6, v45;
	[tilespmem:v50+s21+$0x0] =	vst.idx.msk $0xffff, v39;
	v47 =	vld [tilespmem:s30+$0xFFFFFF50]  }
0x40: {  	v55 =	vadd.s32 v10, v52;
	[tilespmem:v53+s21+$0x0] =	vst.idx.msk $0xffff, v51;
	v54 =	vld [tilespmem:s30+$0xFFFFFF90]  }
0x41: {  	v56 =	vadd.s32 v14, v35;
	[tilespmem:v60+s21+$0x0] =	vst.idx.msk $0xffff, v59;
	v50 =	vld [tilespmem:s30+$0xFFFFFFD0]  }
0x42: {  	[tilespmem:v62+s21+$0x0] =	vst.idx.msk $0xffff, v61;
	v46 =	vadd.s32 v22, v37;
	v44 =	vld [tilespmem:s30+$0x50]  }
0x43: {  	v59 =	vadd.s32 v18, v34;
	[tilespmem:v58+s21+$0x0] =	vst.idx.msk $0xffff, v57;
	v58 =	vld [tilespmem:s30+$0x10]  }
0x44: {  	v57 =	vadd.s32 v31, v38;
	[tilespmem:v63+s21+$0x0] =	vst.idx.msk $0xffff, v47;
	v40 =	vld [tilespmem:s30+$0xE0]  }
0x45: {  	v62 =	vadd.s32 v2, v33;
	v61 =	vld [tilespmem:s30+$0xFFFFFF10];
	[tilespmem:v55+s21+$0x0] =	vst.idx.msk $0xffff, v54  }
0x46: {  	v60 =	vadd.s32 v26, v36;
	v63 =	vld [tilespmem:s30+$0x90];
	[tilespmem:v56+s21+$0x0] =	vst.idx.msk $0xffff, v50  }
0x47: {  	v51 =	vadd.s32 v7, v45;
	[tilespmem:v46+s21+$0x0] =	vst.idx.msk $0xffff, v44;
	v50 =	vld [tilespmem:s30+$0xFFFFFF60]  }
0x48: {  	v56 =	vadd.s32 v11, v52;
	v55 =	vld [tilespmem:s30+$0xFFFFFFA0];
	[tilespmem:v59+s21+$0x0] =	vst.idx.msk $0xffff, v58  }
0x49: {  	v58 =	vadd.s32 v15, v35;
	[tilespmem:v57+s21+$0x0] =	vst.idx.msk $0xffff, v40;
	v57 =	vld [tilespmem:s30+$0xFFFFFFE0]  }
0x4a: {  	v38 =	vadd.s32 v32, v38;
	[tilespmem:v62+s21+$0x0] =	vst.idx.msk $0xffff, v61;
	v54 =	vld [tilespmem:s30+$0xF0]  }
0x4b: {  	s1 =	simm.s32 $0x8;
	[tilespmem:v60+s21+$0x0] =	vst.idx.msk $0xffff, v63;
	v60 =	vadd.s32 v19, v34;
	v59 =	vld [tilespmem:s30+$0x20]  }
0x4c: {  	v41 =	vadd.s32 v23, v37;
	v63 =	vmov s1;
	s1 =	simm.s32 $0x9;
	[tilespmem:v51+s21+$0x0] =	vst.idx.msk $0xffff, v50;
	v40 =	vld [tilespmem:s30+$0x60]  }
0x4d: {  	v43 =	vadd.s32 v27, v36;
	v48 =	vadd.s32 v3, v33;
	v53 =	vmov s1;
	s1 =	simm.s32 $0xB;
	v42 =	vld [tilespmem:s30+$0xA0];
	[tilespmem:v56+s21+$0x0] =	vst.idx.msk $0xffff, v55  }
0x4e: {  	s0 =	simm.s32 $0xA;
	v52 =	vadd.s32 v12, v52;
	v46 =	vld [tilespmem:s30+$0xFFFFFF20];
	v39 =	vshrl.u32 v63, $0x3;
	v44 =	vmov s1;
	s1 =	simm.s32 $0xD;
	[tilespmem:v58+s21+$0x0] =	vst.idx.msk $0xffff, v57  }
0x4f: {  	v51 =	vadd.s32 v8, v45;
	v49 =	vld [tilespmem:s30+$0xFFFFFF70];
	[tilespmem:v38+s21+$0x0] =	vst.idx.msk $0xffff, v54;
	v54 =	vmov s0;
	s0 =	simm.s32 $0xC;
	v38 =	vmov s1;
	s1 =	simm.s32 $0xE  }
0x50: {  	s31 =	simm.s32 $0x10;
	v45 =	vshll.u32 v39, v1;
	v50 =	vld [tilespmem:s30+$0xFFFFFFB0];
	[tilespmem:v60+s21+$0x0] =	vst.idx.msk $0xffff, v59;
	v47 =	vmov s0;
	v39 =	vmov s1;
	s1 =	simm.s32 $0xF  }
.LBB2_3:
0x51: {  	p1 =	slt.u32 s31, $0x78;
	v53 =	vshrl.u32 v53, $0x3;
	v55 =	vmov s1;
	v56 =	vld [tilespmem:s30+$0xFFFFFFF0];
	v35 =	vadd.s32 v16, v35;
	[tilespmem:v41+s21+$0x0] =	vst.idx.msk $0xffff, v40  }
0x52: {  	v40 =	vshrl.u32 v54, $0x3;
	v34 =	vadd.s32 v20, v34;
	v41 =	vshrl.u32 v55, $0x3;
	v54 =	vld [tilespmem:s30+$0x30];
	[tilespmem:v43+s21+$0x0] =	vst.idx.msk $0xffff, v42  }
0x53: {  	v37 =	vadd.s32 v24, v37;
	v42 =	vshrl.u32 v44, $0x3;
	v41 =	vshll.u32 v41, v1;
	[tilespmem:v48+s21+$0x0] =	vst.idx.msk $0xffff, v46;
	v43 =	vld [tilespmem:s30+$0x70]  }
0x54: {  	v36 =	vadd.s32 v28, v36;
	v44 =	vshrl.u32 v47, $0x3;
	v41 =	vbroadcast v41, $0x0;
	[tilespmem:v51+s21+$0x0] =	vst.idx.msk $0xffff, v49;
	v46 =	vld [tilespmem:s30+$0xB0]  }
0x55: {  	v47 =	vshll.u32 v53, v1;
	v49 =	vadd.s32 v4, v33;
	v33 =	vbroadcast v45, $0x0;
	v48 =	vld [tilespmem:s30+$0xFFFFFF30];
	[tilespmem:v52+s21+$0x0] =	vst.idx.msk $0xffff, v50;
	s30 =	sadd.s32 $0x200, s30  }
0x56: {  	v40 =	vshll.u32 v40, v1;
	v45 =	vbroadcast v47, $0x0;
	v47 =	vld [tilespmem:s30+$0xC0];
	v50 =	vadd.s32 v29, v41;
	[tilespmem:v35+s21+$0x0] =	vst.idx.msk $0xffff, v56  }
0x57: {  	v55 =	vbroadcast v40, $0x0;
	v52 =	vadd.s32 v0, v33;
	v35 =	vshll.u32 v42, v1;
	v51 =	vld [tilespmem:s30+$0xFFFFFF00];
	[tilespmem:v34+s21+$0x0] =	vst.idx.msk $0xffff, v54  }
0x58: {  	v42 =	vadd.s32 v5, v45;
	v35 =	vbroadcast v35, $0x0;
	v34 =	vshll.u32 v44, v1;
	v40 =	vld [tilespmem:s30+$0xFFFFFF40];
	[tilespmem:v37+s21+$0x0] =	vst.idx.msk $0xffff, v43  }
0x59: {  	v44 =	vadd.s32 v9, v55;
	v34 =	vbroadcast v34, $0x0;
	v37 =	vshrl.u32 v38, $0x3;
	v43 =	vld [tilespmem:s30+$0xFFFFFF80];
	[tilespmem:v36+s21+$0x0] =	vst.idx.msk $0xffff, v46  }
0x5a: {  	v39 =	vshrl.u32 v39, $0x3;
	v46 =	vadd.s32 v13, v35;
	v36 =	vshll.u32 v37, v1;
	v38 =	vld [tilespmem:s30+$0xFFFFFFC0];
	[tilespmem:v49+s21+$0x0] =	vst.idx.msk $0xffff, v48  }
0x5b: {  	v49 =	vadd.s32 v17, v34;
	v37 =	vbroadcast v36, $0x0;
	v36 =	vshll.u32 v39, v1;
	v48 =	vld [tilespmem:s30+$0x0];
	[tilespmem:v50+s21+$0x0] =	vst.idx.msk $0xffff, v47  }
0x5c: {  	v36 =	vbroadcast v36, $0x0;
	v47 =	vadd.s32 v30, v41;
	[tilespmem:v52+s21+$0x0] =	vst.idx.msk $0xffff, v51;
	v39 =	vld [tilespmem:s30+$0xD0]  }
0x5d: {  	[tilespmem:v42+s21+$0x0] =	vst.idx.msk $0xffff, v40;
	v40 =	vld [tilespmem:s30+$0x40];
	v42 =	vadd.s32 v21, v37  }
0x5e: {  	[tilespmem:v44+s21+$0x0] =	vst.idx.msk $0xffff, v43;
	v43 =	vld [tilespmem:s30+$0x80];
	v44 =	vadd.s32 v25, v36  }
0x5f: {  	v51 =	vadd.s32 v6, v45;
	v50 =	vld [tilespmem:s30+$0xFFFFFF50];
	[tilespmem:v46+s21+$0x0] =	vst.idx.msk $0xffff, v38  }
0x60: {  	v46 =	vadd.s32 v10, v55;
	v38 =	vld [tilespmem:s30+$0xFFFFFF90];
	[tilespmem:v49+s21+$0x0] =	vst.idx.msk $0xffff, v48  }
0x61: {  	v49 =	vadd.s32 v14, v35;
	v48 =	vld [tilespmem:s30+$0xFFFFFFD0];
	[tilespmem:v47+s21+$0x0] =	vst.idx.msk $0xffff, v39  }
0x62: {  	[tilespmem:v42+s21+$0x0] =	vst.idx.msk $0xffff, v40;
	v39 =	vld [tilespmem:s30+$0xE0];
	v40 =	vadd.s32 v31, v41  }
0x63: {  	v47 =	vadd.s32 v18, v34;
	v42 =	vld [tilespmem:s30+$0x10];
	[tilespmem:v44+s21+$0x0] =	vst.idx.msk $0xffff, v43  }
0x64: {  	v44 =	vadd.s32 v22, v37;
	[tilespmem:v51+s21+$0x0] =	vst.idx.msk $0xffff, v50;
	v43 =	vld [tilespmem:s30+$0x50]  }
0x65: {  	[tilespmem:v46+s21+$0x0] =	vst.idx.msk $0xffff, v38;
	v38 =	vld [tilespmem:s30+$0x90];
	v46 =	vadd.s32 v26, v36  }
0x66: {  	v51 =	vadd.s32 v2, v33;
	v50 =	vld [tilespmem:s30+$0xFFFFFF10];
	[tilespmem:v49+s21+$0x0] =	vst.idx.msk $0xffff, v48  }
0x67: {  	v49 =	vadd.s32 v7, v45;
	v48 =	vld [tilespmem:s30+$0xFFFFFF60];
	[tilespmem:v40+s21+$0x0] =	vst.idx.msk $0xffff, v39  }
0x68: {  	[tilespmem:v47+s21+$0x0] =	vst.idx.msk $0xffff, v42;
	v39 =	vld [tilespmem:s30+$0xF0];
	v47 =	vadd.s32 v32, v41  }
0x69: {  	v56 =	vadd.s32 v11, v55;
	v52 =	vld [tilespmem:s30+$0xFFFFFFA0];
	[tilespmem:v44+s21+$0x0] =	vst.idx.msk $0xffff, v43  }
0x6a: {  	v58 =	vadd.s32 v15, v35;
	v57 =	vld [tilespmem:s30+$0xFFFFFFE0];
	[tilespmem:v46+s21+$0x0] =	vst.idx.msk $0xffff, v38  }
0x6b: {  	v60 =	vadd.s32 v19, v34;
	[tilespmem:v51+s21+$0x0] =	vst.idx.msk $0xffff, v50;
	v59 =	vld [tilespmem:s30+$0x20]  }
.Ltmp0:
0x6c: {  	s0 =	sadd.s32 $0x1, s31;
	v41 =	vadd.s32 v23, v37;
	v38 =	vmov s31;
	[tilespmem:v49+s21+$0x0] =	vst.idx.msk $0xffff, v48;
	v40 =	vld [tilespmem:s30+$0x60];
	(pc) =	sbr.rel @p1 .LBB2_3-.Ltmp0, $4  }
0x6d: {  	s1 =	sadd.s32 $0x3, s31;
	v53 =	vmov s0;
	s0 =	sadd.s32 $0x2, s31;
	v43 =	vadd.s32 v27, v36;
	v50 =	vshrl.u32 v38, $0x3;
	v42 =	vld [tilespmem:s30+$0xA0];
	[tilespmem:v47+s21+$0x0] =	vst.idx.msk $0xffff, v39  }
0x6e: {  	v54 =	vmov s0;
	s0 =	sadd.s32 $0x4, s31;
	v44 =	vmov s1;
	s1 =	sadd.s32 $0x5, s31;
	v48 =	vadd.s32 v3, v33;
	v46 =	vld [tilespmem:s30+$0xFFFFFF20];
	[tilespmem:v56+s21+$0x0] =	vst.idx.msk $0xffff, v52  }
0x6f: {  	v38 =	vmov s1;
	v51 =	vadd.s32 v8, v45;
	v47 =	vmov s0;
	s0 =	sadd.s32 $0x6, s31;
	v49 =	vld [tilespmem:s30+$0xFFFFFF70];
	[tilespmem:v58+s21+$0x0] =	vst.idx.msk $0xffff, v57  }
0x70: {  	s1 =	sadd.s32 $0x7, s31;
	v45 =	vshll.u32 v50, v1;
	s31 =	sadd.s32 $0x8, s31;
	v39 =	vmov s0;
	v52 =	vadd.s32 v12, v55;
	v50 =	vld [tilespmem:s30+$0xFFFFFFB0];
	[tilespmem:v60+s21+$0x0] =	vst.idx.msk $0xffff, v59  }
0x71: {  	_ =	sdelay $0x2  }
0x72: {  	v53 =	vshrl.u32 v53, $0x3  }
0x73: {  	v55 =	vmov s1;
	v56 =	vld [tilespmem:s30+$0xFFFFFFF0];
	v35 =	vadd.s32 v16, v35;
	[tilespmem:v41+s21+$0x0] =	vst.idx.msk $0xffff, v40;
	v57 =	vshrl.u32 v54, $0x3  }
0x74: {  	v59 =	vld [tilespmem:s30+$0x30];
	v34 =	vadd.s32 v20, v34;
	v60 =	vshrl.u32 v44, $0x3;
	v58 =	vshrl.u32 v55, $0x3;
	[tilespmem:v43+s21+$0x0] =	vst.idx.msk $0xffff, v42  }
0x75: {  	v37 =	vadd.s32 v24, v37;
	v62 =	vshrl.u32 v47, $0x3;
	v61 =	vld [tilespmem:s30+$0x70];
	v41 =	vshll.u32 v58, v1;
	[tilespmem:v48+s21+$0x0] =	vst.idx.msk $0xffff, v46  }
0x76: {  	v36 =	vadd.s32 v28, v36;
	v45 =	vbroadcast v45, $0x0;
	v63 =	vld [tilespmem:s30+$0xB0];
	v41 =	vbroadcast v41, $0x0;
	[tilespmem:v51+s21+$0x0] =	vst.idx.msk $0xffff, v49  }
0x77: {  	v33 =	vadd.s32 v4, v33;
	s1 =	sadd.s32 $0x200, s30;
	v38 =	vshrl.u32 v38, $0x3;
	v55 =	vshll.u32 v53, v1;
	v48 =	vld [tilespmem:s30+$0xFFFFFF30];
	[tilespmem:v52+s21+$0x0] =	vst.idx.msk $0xffff, v50  }
0x78: {  	v40 =	vshll.u32 v57, v1;
	v47 =	vbroadcast v55, $0x0;
	v49 =	vld [tilespmem:s1+$0xC0];
	v50 =	vadd.s32 v29, v41;
	[tilespmem:v35+s21+$0x0] =	vst.idx.msk $0xffff, v56  }
0x79: {  	v42 =	vshll.u32 v60, v1;
	v40 =	vbroadcast v40, $0x0;
	v35 =	vld [tilespmem:s1+$0xFFFFFF00];
	v56 =	vadd.s32 v0, v45;
	[tilespmem:v34+s21+$0x0] =	vst.idx.msk $0xffff, v59  }
0x7a: {  	v57 =	vld [tilespmem:s1+$0xFFFFFF40];
	v44 =	vshll.u32 v62, v1;
	v42 =	vbroadcast v42, $0x0;
	v58 =	vadd.s32 v5, v47;
	[tilespmem:v37+s21+$0x0] =	vst.idx.msk $0xffff, v61  }
0x7b: {  	v38 =	vshll.u32 v38, v1;
	v44 =	vbroadcast v44, $0x0;
	v60 =	vadd.s32 v9, v40;
	v59 =	vld [tilespmem:s1+$0xFFFFFF80];
	[tilespmem:v36+s21+$0x0] =	vst.idx.msk $0xffff, v63  }
0x7c: {  	v38 =	vbroadcast v38, $0x0;
	v62 =	vadd.s32 v13, v42;
	v61 =	vld [tilespmem:s1+$0xFFFFFFC0];
	[tilespmem:v33+s21+$0x0] =	vst.idx.msk $0xffff, v48  }
0x7d: {  	v39 =	vshrl.u32 v39, $0x3;
	v63 =	vadd.s32 v17, v44;
	v33 =	vld [tilespmem:s1+$0x0];
	[tilespmem:v50+s21+$0x0] =	vst.idx.msk $0xffff, v49  }
0x7e: {  	v39 =	vshll.u32 v39, v1;
	v34 =	vld [tilespmem:s1+$0x40];
	[tilespmem:v56+s21+$0x0] =	vst.idx.msk $0xffff, v35;
	v56 =	vadd.s32 v21, v38  }
0x7f: {  	[tilespmem:v58+s21+$0x0] =	vst.idx.msk $0xffff, v57;
	v35 =	vbroadcast v39, $0x0;
	v49 =	vadd.s32 v30, v41;
	v39 =	vld [tilespmem:s1+$0xD0]  }
0x80: {  	[tilespmem:v60+s21+$0x0] =	vst.idx.msk $0xffff, v59;
	v59 =	vld [tilespmem:s1+$0xFFFFFF50];
	v60 =	vadd.s32 v6, v47  }
0x81: {  	v57 =	vld [tilespmem:s1+$0x80];
	[tilespmem:v62+s21+$0x0] =	vst.idx.msk $0xffff, v61;
	v58 =	vadd.s32 v25, v35  }
0x82: {  	v61 =	vld [tilespmem:s1+$0xFFFFFF90];
	v62 =	vadd.s32 v10, v40;
	[tilespmem:v63+s21+$0x0] =	vst.idx.msk $0xffff, v33  }
0x83: {  	v33 =	vld [tilespmem:s1+$0xFFFFFFD0];
	v63 =	vadd.s32 v14, v42;
	[tilespmem:v56+s21+$0x0] =	vst.idx.msk $0xffff, v34  }
0x84: {  	v56 =	vadd.s32 v18, v44;
	[tilespmem:v49+s21+$0x0] =	vst.idx.msk $0xffff, v39;
	v49 =	vld [tilespmem:s1+$0x10]  }
0x85: {  	[tilespmem:v60+s21+$0x0] =	vst.idx.msk $0xffff, v59;
	v39 =	vadd.s32 v31, v41;
	v34 =	vld [tilespmem:s1+$0xE0]  }
0x86: {  	[tilespmem:v58+s21+$0x0] =	vst.idx.msk $0xffff, v57;
	v57 =	vld [tilespmem:s1+$0x50];
	v58 =	vadd.s32 v22, v38  }
0x87: {  	[tilespmem:v62+s21+$0x0] =	vst.idx.msk $0xffff, v61;
	v61 =	vld [tilespmem:s1+$0xFFFFFF10];
	v62 =	vadd.s32 v2, v45  }
0x88: {  	v60 =	vadd.s32 v26, v35;
	v59 =	vld [tilespmem:s1+$0x90];
	[tilespmem:v63+s21+$0x0] =	vst.idx.msk $0xffff, v33  }
0x89: {  	v55 =	vadd.s32 v11, v40;
	v54 =	vadd.s32 v32, v41;
	v41 =	vld [tilespmem:s1+$0xFFFFFFA0];
	[tilespmem:v56+s21+$0x0] =	vst.idx.msk $0xffff, v49  }
0x8a: {  	v53 =	vadd.s32 v7, v47;
	v63 =	vld [tilespmem:s1+$0xFFFFFF60];
	[tilespmem:v39+s21+$0x0] =	vst.idx.msk $0xffff, v34  }
0x8b: {  	v56 =	vld [tilespmem:s1+$0xFFFFFFE0];
	[tilespmem:v58+s21+$0x0] =	vst.idx.msk $0xffff, v57;
	v57 =	vadd.s32 v15, v42  }
0x8c: {  	[tilespmem:v62+s21+$0x0] =	vst.idx.msk $0xffff, v61;
	v34 =	vld [tilespmem:s1+$0xF0]  }
0x8d: {  	v58 =	vld [tilespmem:s1+$0x20];
	[tilespmem:v60+s21+$0x0] =	vst.idx.msk $0xffff, v59;
	v59 =	vadd.s32 v19, v44  }
0x8e: {  	v61 =	vadd.s32 v23, v38;
	[tilespmem:v55+s21+$0x0] =	vst.idx.msk $0xffff, v41;
	v60 =	vld [tilespmem:s1+$0x60]  }
0x8f: {  	[tilespmem:v53+s21+$0x0] =	vst.idx.msk $0xffff, v63;
	v63 =	vadd.s32 v27, v35;
	v62 =	vld [tilespmem:s1+$0xA0]  }
0x90: {  	v47 =	vadd.s32 v8, v47;
	v55 =	vld [tilespmem:s1+$0xFFFFFF70];
	[tilespmem:v57+s21+$0x0] =	vst.idx.msk $0xffff, v56  }
0x91: {  	v53 =	vld [tilespmem:s1+$0xFFFFFF20];
	[tilespmem:v54+s21+$0x0] =	vst.idx.msk $0xffff, v34;
	v54 =	vadd.s32 v3, v45  }
0x92: {  	v40 =	vadd.s32 v12, v40;
	v56 =	vld [tilespmem:s1+$0xFFFFFFB0];
	[tilespmem:v59+s21+$0x0] =	vst.idx.msk $0xffff, v58  }
0x93: {  	v42 =	vadd.s32 v16, v42;
	v57 =	vld [tilespmem:s1+$0xFFFFFFF0];
	[tilespmem:v61+s21+$0x0] =	vst.idx.msk $0xffff, v60  }
0x94: {  	v59 =	vadd.s32 v20, v44;
	v58 =	vld [tilespmem:s1+$0x30];
	[tilespmem:v63+s21+$0x0] =	vst.idx.msk $0xffff, v62  }
0x95: {  	v38 =	vadd.s32 v24, v38;
	v60 =	vld [tilespmem:s1+$0x70];
	[tilespmem:v47+s21+$0x0] =	vst.idx.msk $0xffff, v55  }
0x96: {  	v35 =	vadd.s32 v28, v35;
	v61 =	vld [tilespmem:s1+$0xB0];
	[tilespmem:v54+s21+$0x0] =	vst.idx.msk $0xffff, v53  }
0x97: {  	v63 =	vadd.s32 v4, v45;
	[tilespmem:v40+s21+$0x0] =	vst.idx.msk $0xffff, v56;
	v62 =	vld [tilespmem:s1+$0xFFFFFF30]  }
0x98: {  	[tilespmem:v42+s21+$0x0] =	vst.idx.msk $0xffff, v57  }
0x99: {  	s0 =	sshll.u32 s28, $0x13;
	[tilespmem:v59+s21+$0x0] =	vst.idx.msk $0xffff, v58  }
0x9a: {  	s0 =	sor.u32 s6, s0;
	[tilespmem:v38+s21+$0x0] =	vst.idx.msk $0xffff, v60  }
0x9b: {  	s30 =	sshrl.u32 s0, $0x3;
	[tilespmem:v35+s21+$0x0] =	vst.idx.msk $0xffff, v61  }
0x9c: {  	s0 =	sadd.s32 s2, s30;
	[tilespmem:v63+s21+$0x0] =	vst.idx.msk $0xffff, v62  }
0x9d: {  	[hbm4b:s0+s3] =	stream.linear.scatter [tilespmem:s21], [sflag:$0x3], $0x80, $0x38;
	[tilespmem:$0xE800] =	vst v63  }
0x9e: {  	s31 =	simm.s32 $0xA488;
	s1 =	sadd.s32 $0x10, s0  }
0x9f: {  	[hbm4b:s1+s3] =	stream.linear.scatter [tilespmem:s31], [sflag:$0x3], $0x80, $0x38;
	[tilespmem:$0xE800] =	vst v63  }
0xa0: {  	s1 =	sadd.s32 $0x20, s0;
	s31 =	simm.s32 $0xA510  }
0xa1: {  	[hbm4b:s1+s3] =	stream.linear.scatter [tilespmem:s31], [sflag:$0x3], $0x80, $0x38;
	[tilespmem:$0xE800] =	vst v63  }
0xa2: {  	s1 =	sadd.s32 $0x30, s0;
	s31 =	simm.s32 $0xA598  }
0xa3: {  	[hbm4b:s1+s3] =	stream.linear.scatter [tilespmem:s31], [sflag:$0x3], $0x80, $0x38;
	[tilespmem:$0xE800] =	vst v63  }
0xa4: {  	s1 =	sadd.s32 $0x40, s0;
	s31 =	simm.s32 $0xA620  }
0xa5: {  	[hbm4b:s1+s3] =	stream.linear.scatter [tilespmem:s31], [sflag:$0x3], $0x80, $0x38;
	[tilespmem:$0xE800] =	vst v63  }
0xa6: {  	s1 =	sadd.s32 $0x50, s0;
	s31 =	simm.s32 $0xA6A8  }
0xa7: {  	[hbm4b:s1+s3] =	stream.linear.scatter [tilespmem:s31], [sflag:$0x3], $0x80, $0x38;
	[tilespmem:$0xE800] =	vst v63  }
0xa8: {  	s1 =	sadd.s32 $0x60, s0;
	s31 =	simm.s32 $0xA730  }
0xa9: {  	[hbm4b:s1+s3] =	stream.linear.scatter [tilespmem:s31], [sflag:$0x3], $0x80, $0x38;
	[tilespmem:$0xE800] =	vst v63  }
0xaa: {  	s0 =	sadd.s32 $0x70, s0;
	s31 =	simm.s32 $0xA7B8  }
0xab: {  	[hbm4b:s0+s3] =	stream.linear.scatter [tilespmem:s31], [sflag:$0x3], $0x80, $0x38;
	[tilespmem:$0xE800] =	vst v63  }
0xac: {  	s0 =	sadd.s32 s30, s7;
	s31 =	simm.s32 $0xA840  }
0xad: {  	[hbm4b:s0+s3] =	stream.linear.scatter [tilespmem:s31], [sflag:$0x3], $0x80, $0x38;
	[tilespmem:$0xE800] =	vst v63  }
0xae: {  	s1 =	sadd.s32 $0x10, s0;
	s31 =	simm.s32 $0xA8C8  }
0xaf: {  	[hbm4b:s1+s3] =	stream.linear.scatter [tilespmem:s31], [sflag:$0x3], $0x80, $0x38;
	[tilespmem:$0xE800] =	vst v63  }
0xb0: {  	s1 =	sadd.s32 $0x20, s0;
	s31 =	simm.s32 $0xA950  }
0xb1: {  	[hbm4b:s1+s3] =	stream.linear.scatter [tilespmem:s31], [sflag:$0x3], $0x80, $0x38;
	[tilespmem:$0xE800] =	vst v63  }
0xb2: {  	s1 =	sadd.s32 $0x30, s0;
	s31 =	simm.s32 $0xA9D8  }
0xb3: {  	[hbm4b:s1+s3] =	stream.linear.scatter [tilespmem:s31], [sflag:$0x3], $0x80, $0x38;
	[tilespmem:$0xE800] =	vst v63  }
0xb4: {  	s1 =	sadd.s32 $0x40, s0;
	s31 =	simm.s32 $0xAA60  }
0xb5: {  	[hbm4b:s1+s3] =	stream.linear.scatter [tilespmem:s31], [sflag:$0x3], $0x80, $0x38;
	[tilespmem:$0xE800] =	vst v63  }
0xb6: {  	s1 =	sadd.s32 $0x50, s0;
	s31 =	simm.s32 $0xAAE8  }
0xb7: {  	[hbm4b:s1+s3] =	stream.linear.scatter [tilespmem:s31], [sflag:$0x3], $0x80, $0x38;
	[tilespmem:$0xE800] =	vst v63  }
0xb8: {  	s1 =	sadd.s32 $0x60, s0;
	s31 =	simm.s32 $0xAB70  }
0xb9: {  	[hbm4b:s1+s3] =	stream.linear.scatter [tilespmem:s31], [sflag:$0x3], $0x80, $0x38;
	[tilespmem:$0xE800] =	vst v63  }
0xba: {  	s0 =	sadd.s32 $0x70, s0;
	s31 =	simm.s32 $0xABF8  }
0xbb: {  	[hbm4b:s0+s3] =	stream.linear.scatter [tilespmem:s31], [sflag:$0x3], $0x80, $0x38;
	[tilespmem:$0xE800] =	vst v63  }
0xbc: {  	s0 =	sadd.s32 s30, s8;
	s31 =	simm.s32 $0xAC80  }
0xbd: {  	[hbm4b:s0+s3] =	stream.linear.scatter [tilespmem:s31], [sflag:$0x3], $0x80, $0x38;
	[tilespmem:$0xE800] =	vst v63  }
0xbe: {  	s1 =	sadd.s32 $0x10, s0;
	s31 =	simm.s32 $0xAD08  }
0xbf: {  	[hbm4b:s1+s3] =	stream.linear.scatter [tilespmem:s31], [sflag:$0x3], $0x80, $0x38;
	[tilespmem:$0xE800] =	vst v63  }
0xc0: {  	s1 =	sadd.s32 $0x20, s0;
	s31 =	simm.s32 $0xAD90  }
0xc1: {  	[hbm4b:s1+s3] =	stream.linear.scatter [tilespmem:s31], [sflag:$0x3], $0x80, $0x38;
	[tilespmem:$0xE800] =	vst v63  }
0xc2: {  	s1 =	sadd.s32 $0x30, s0;
	s31 =	simm.s32 $0xAE18  }
0xc3: {  	[hbm4b:s1+s3] =	stream.linear.scatter [tilespmem:s31], [sflag:$0x3], $0x80, $0x38;
	[tilespmem:$0xE800] =	vst v63  }
0xc4: {  	s1 =	sadd.s32 $0x40, s0;
	s31 =	simm.s32 $0xAEA0  }
0xc5: {  	[hbm4b:s1+s3] =	stream.linear.scatter [tilespmem:s31], [sflag:$0x3], $0x80, $0x38;
	[tilespmem:$0xE800] =	vst v63  }
0xc6: {  	s1 =	sadd.s32 $0x50, s0;
	s31 =	simm.s32 $0xAF28  }
0xc7: {  	[hbm4b:s1+s3] =	stream.linear.scatter [tilespmem:s31], [sflag:$0x3], $0x80, $0x38;
	[tilespmem:$0xE800] =	vst v63  }
0xc8: {  	s1 =	sadd.s32 $0x60, s0;
	s31 =	simm.s32 $0xAFB0  }
0xc9: {  	[hbm4b:s1+s3] =	stream.linear.scatter [tilespmem:s31], [sflag:$0x3], $0x80, $0x38;
	[tilespmem:$0xE800] =	vst v63  }
0xca: {  	s0 =	sadd.s32 $0x70, s0;
	s31 =	simm.s32 $0xB038  }
0xcb: {  	[hbm4b:s0+s3] =	stream.linear.scatter [tilespmem:s31], [sflag:$0x3], $0x80, $0x38;
	[tilespmem:$0xE800] =	vst v63  }
0xcc: {  	s0 =	sadd.s32 s30, s9;
	s31 =	simm.s32 $0xB0C0  }
0xcd: {  	[hbm4b:s0+s3] =	stream.linear.scatter [tilespmem:s31], [sflag:$0x3], $0x80, $0x38;
	[tilespmem:$0xE800] =	vst v63  }
0xce: {  	s1 =	sadd.s32 $0x10, s0;
	s31 =	simm.s32 $0xB148  }
0xcf: {  	[hbm4b:s1+s3] =	stream.linear.scatter [tilespmem:s31], [sflag:$0x3], $0x80, $0x38;
	[tilespmem:$0xE800] =	vst v63  }
0xd0: {  	s1 =	sadd.s32 $0x20, s0;
	s31 =	simm.s32 $0xB1D0  }
0xd1: {  	[hbm4b:s1+s3] =	stream.linear.scatter [tilespmem:s31], [sflag:$0x3], $0x80, $0x38;
	[tilespmem:$0xE800] =	vst v63  }
0xd2: {  	s1 =	sadd.s32 $0x30, s0;
	s31 =	simm.s32 $0xB258  }
0xd3: {  	[hbm4b:s1+s3] =	stream.linear.scatter [tilespmem:s31], [sflag:$0x3], $0x80, $0x38;
	[tilespmem:$0xE800] =	vst v63  }
0xd4: {  	s1 =	sadd.s32 $0x40, s0;
	s31 =	simm.s32 $0xB2E0  }
0xd5: {  	[hbm4b:s1+s3] =	stream.linear.scatter [tilespmem:s31], [sflag:$0x3], $0x80, $0x38;
	[tilespmem:$0xE800] =	vst v63  }
0xd6: {  	s1 =	sadd.s32 $0x50, s0;
	s31 =	simm.s32 $0xB368  }
0xd7: {  	[hbm4b:s1+s3] =	stream.linear.scatter [tilespmem:s31], [sflag:$0x3], $0x80, $0x38;
	[tilespmem:$0xE800] =	vst v63  }
0xd8: {  	s1 =	sadd.s32 $0x60, s0;
	s31 =	simm.s32 $0xB3F0  }
0xd9: {  	[hbm4b:s1+s3] =	stream.linear.scatter [tilespmem:s31], [sflag:$0x3], $0x80, $0x38;
	[tilespmem:$0xE800] =	vst v63  }
0xda: {  	s0 =	sadd.s32 $0x70, s0;
	s31 =	simm.s32 $0xB478  }
0xdb: {  	[hbm4b:s0+s3] =	stream.linear.scatter [tilespmem:s31], [sflag:$0x3], $0x80, $0x38;
	[tilespmem:$0xE800] =	vst v63  }
0xdc: {  	s0 =	sadd.s32 s30, s10;
	s31 =	simm.s32 $0xB500  }
0xdd: {  	[hbm4b:s0+s3] =	stream.linear.scatter [tilespmem:s31], [sflag:$0x3], $0x80, $0x38;
	[tilespmem:$0xE800] =	vst v63  }
0xde: {  	s1 =	sadd.s32 $0x10, s0;
	s31 =	simm.s32 $0xB588  }
0xdf: {  	[hbm4b:s1+s3] =	stream.linear.scatter [tilespmem:s31], [sflag:$0x3], $0x80, $0x38;
	[tilespmem:$0xE800] =	vst v63  }
0xe0: {  	s1 =	sadd.s32 $0x20, s0;
	s31 =	simm.s32 $0xB610  }
0xe1: {  	[hbm4b:s1+s3] =	stream.linear.scatter [tilespmem:s31], [sflag:$0x3], $0x80, $0x38;
	[tilespmem:$0xE800] =	vst v63  }
0xe2: {  	s1 =	sadd.s32 $0x30, s0;
	s31 =	simm.s32 $0xB698  }
0xe3: {  	[hbm4b:s1+s3] =	stream.linear.scatter [tilespmem:s31], [sflag:$0x3], $0x80, $0x38;
	[tilespmem:$0xE800] =	vst v63  }
0xe4: {  	s1 =	sadd.s32 $0x40, s0;
	s31 =	simm.s32 $0xB720  }
0xe5: {  	[hbm4b:s1+s3] =	stream.linear.scatter [tilespmem:s31], [sflag:$0x3], $0x80, $0x38;
	[tilespmem:$0xE800] =	vst v63  }
0xe6: {  	s1 =	sadd.s32 $0x50, s0;
	s31 =	simm.s32 $0xB7A8  }
0xe7: {  	[hbm4b:s1+s3] =	stream.linear.scatter [tilespmem:s31], [sflag:$0x3], $0x80, $0x38;
	[tilespmem:$0xE800] =	vst v63  }
0xe8: {  	s1 =	sadd.s32 $0x60, s0;
	s31 =	simm.s32 $0xB830  }
0xe9: {  	[hbm4b:s1+s3] =	stream.linear.scatter [tilespmem:s31], [sflag:$0x3], $0x80, $0x38;
	[tilespmem:$0xE800] =	vst v63  }
0xea: {  	s0 =	sadd.s32 $0x70, s0;
	s31 =	simm.s32 $0xB8B8  }
0xeb: {  	[hbm4b:s0+s3] =	stream.linear.scatter [tilespmem:s31], [sflag:$0x3], $0x80, $0x38;
	[tilespmem:$0xE800] =	vst v63  }
0xec: {  	s0 =	sadd.s32 s30, s11;
	s31 =	simm.s32 $0xB940  }
0xed: {  	[hbm4b:s0+s3] =	stream.linear.scatter [tilespmem:s31], [sflag:$0x3], $0x80, $0x38;
	[tilespmem:$0xE800] =	vst v63  }
0xee: {  	s1 =	sadd.s32 $0x10, s0;
	s31 =	simm.s32 $0xB9C8  }
0xef: {  	[hbm4b:s1+s3] =	stream.linear.scatter [tilespmem:s31], [sflag:$0x3], $0x80, $0x38;
	[tilespmem:$0xE800] =	vst v63  }
0xf0: {  	s1 =	sadd.s32 $0x20, s0;
	s31 =	simm.s32 $0xBA50  }
0xf1: {  	[hbm4b:s1+s3] =	stream.linear.scatter [tilespmem:s31], [sflag:$0x3], $0x80, $0x38;
	[tilespmem:$0xE800] =	vst v63  }
0xf2: {  	s1 =	sadd.s32 $0x30, s0;
	s31 =	simm.s32 $0xBAD8  }
0xf3: {  	[hbm4b:s1+s3] =	stream.linear.scatter [tilespmem:s31], [sflag:$0x3], $0x80, $0x38;
	[tilespmem:$0xE800] =	vst v63  }
0xf4: {  	s1 =	sadd.s32 $0x40, s0;
	s31 =	simm.s32 $0xBB60  }
0xf5: {  	[hbm4b:s1+s3] =	stream.linear.scatter [tilespmem:s31], [sflag:$0x3], $0x80, $0x38;
	[tilespmem:$0xE800] =	vst v63  }
0xf6: {  	s1 =	sadd.s32 $0x50, s0;
	s31 =	simm.s32 $0xBBE8  }
0xf7: {  	[hbm4b:s1+s3] =	stream.linear.scatter [tilespmem:s31], [sflag:$0x3], $0x80, $0x38;
	[tilespmem:$0xE800] =	vst v63  }
0xf8: {  	s1 =	sadd.s32 $0x60, s0;
	s31 =	simm.s32 $0xBC70  }
0xf9: {  	[hbm4b:s1+s3] =	stream.linear.scatter [tilespmem:s31], [sflag:$0x3], $0x80, $0x38;
	[tilespmem:$0xE800] =	vst v63  }
0xfa: {  	s0 =	sadd.s32 $0x70, s0;
	s31 =	simm.s32 $0xBCF8  }
0xfb: {  	[hbm4b:s0+s3] =	stream.linear.scatter [tilespmem:s31], [sflag:$0x3], $0x80, $0x38;
	[tilespmem:$0xE800] =	vst v63  }
0xfc: {  	s0 =	sadd.s32 s30, s12;
	s31 =	simm.s32 $0xBD80  }
0xfd: {  	[hbm4b:s0+s3] =	stream.linear.scatter [tilespmem:s31], [sflag:$0x3], $0x80, $0x38;
	[tilespmem:$0xE800] =	vst v63  }
0xfe: {  	s1 =	sadd.s32 $0x10, s0;
	s31 =	simm.s32 $0xBE08  }
0xff: {  	[hbm4b:s1+s3] =	stream.linear.scatter [tilespmem:s31], [sflag:$0x3], $0x80, $0x38;
	[tilespmem:$0xE800] =	vst v63  }
0x100: {  	s1 =	sadd.s32 $0x20, s0;
	s31 =	simm.s32 $0xBE90  }
0x101: {  	[hbm4b:s1+s3] =	stream.linear.scatter [tilespmem:s31], [sflag:$0x3], $0x80, $0x38;
	[tilespmem:$0xE800] =	vst v63  }
0x102: {  	s1 =	sadd.s32 $0x30, s0;
	s31 =	simm.s32 $0xBF18  }
0x103: {  	[hbm4b:s1+s3] =	stream.linear.scatter [tilespmem:s31], [sflag:$0x3], $0x80, $0x38;
	[tilespmem:$0xE800] =	vst v63  }
0x104: {  	s1 =	sadd.s32 $0x40, s0;
	s31 =	simm.s32 $0xBFA0  }
0x105: {  	[hbm4b:s1+s3] =	stream.linear.scatter [tilespmem:s31], [sflag:$0x3], $0x80, $0x38;
	[tilespmem:$0xE800] =	vst v63  }
0x106: {  	s1 =	sadd.s32 $0x50, s0;
	s31 =	simm.s32 $0xC028  }
0x107: {  	[hbm4b:s1+s3] =	stream.linear.scatter [tilespmem:s31], [sflag:$0x3], $0x80, $0x38;
	[tilespmem:$0xE800] =	vst v63  }
0x108: {  	s1 =	sadd.s32 $0x60, s0;
	s31 =	simm.s32 $0xC0B0  }
0x109: {  	[hbm4b:s1+s3] =	stream.linear.scatter [tilespmem:s31], [sflag:$0x3], $0x80, $0x38;
	[tilespmem:$0xE800] =	vst v63  }
0x10a: {  	s0 =	sadd.s32 $0x70, s0;
	s31 =	simm.s32 $0xC138  }
0x10b: {  	[hbm4b:s0+s3] =	stream.linear.scatter [tilespmem:s31], [sflag:$0x3], $0x80, $0x38;
	[tilespmem:$0xE800] =	vst v63  }
0x10c: {  	s0 =	sadd.s32 s30, s13;
	s30 =	simm.s32 $0xC1C0  }
0x10d: {  	[hbm4b:s0+s3] =	stream.linear.scatter [tilespmem:s30], [sflag:$0x3], $0x80, $0x38;
	[tilespmem:$0xE800] =	vst v63  }
0x10e: {  	s31 =	simm.s32 $0xC248;
	s1 =	sadd.s32 $0x10, s0  }
0x10f: {  	[hbm4b:s1+s3] =	stream.linear.scatter [tilespmem:s31], [sflag:$0x3], $0x80, $0x38;
	[tilespmem:$0xE800] =	vst v63  }
0x110: {  	s1 =	sadd.s32 $0x20, s0;
	s31 =	simm.s32 $0xC2D0  }
0x111: {  	[hbm4b:s1+s3] =	stream.linear.scatter [tilespmem:s31], [sflag:$0x3], $0x80, $0x38;
	[tilespmem:$0xE800] =	vst v63  }
0x112: {  	s1 =	sadd.s32 $0x30, s0;
	s31 =	simm.s32 $0xC358  }
0x113: {  	[hbm4b:s1+s3] =	stream.linear.scatter [tilespmem:s31], [sflag:$0x3], $0x80, $0x38;
	[tilespmem:$0xE800] =	vst v63  }
0x114: {  	s1 =	sadd.s32 $0x40, s0;
	s31 =	simm.s32 $0xC3E0  }
0x115: {  	[hbm4b:s1+s3] =	stream.linear.scatter [tilespmem:s31], [sflag:$0x3], $0x80, $0x38;
	[tilespmem:$0xE800] =	vst v63  }
0x116: {  	p1 =	sne.s32 s28, $0x63;
	s1 =	sadd.s32 $0x50, s0;
	s31 =	simm.s32 $0xC468  }
0x117: {  	[hbm4b:s1+s3] =	stream.linear.scatter [tilespmem:s31], [sflag:$0x3], $0x80, $0x38;
	[tilespmem:$0xE800] =	vst v63  }
.Ltmp1:
0x118: {  	_ = 	snop;
	(pc) =	sbr.rel @p1 .LBB2_6-.Ltmp1, $4  }
0x119: {  	s1 =	sadd.s32 $0x60, s0;
	s31 =	simm.s32 $0xC4F0  }
0x11a: {  	[hbm4b:s1+s3] =	stream.linear.scatter [tilespmem:s31], [sflag:$0x3], $0x80, $0x38;
	[tilespmem:$0xE800] =	vst v63  }
0x11b: {  	s0 =	sadd.s32 $0x70, s0;
	s31 =	simm.s32 $0xC578  }
0x11c: {  	[hbm4b:s0+s3] =	stream.linear.scatter [tilespmem:s31], [sflag:$0x3], $0x80, $0x38;
	[tilespmem:$0xE800] =	vst v63  }
.Ltmp2:
0x11d: {  	(pc) =	sbr.rel .LBB2_7-.Ltmp2, $4  }
0x11e: {  	_ = 	snop  }
0x11f: {  	_ =	swait.ge [sflag:s5], $0x2000  }
0x120: {  	[sflag:s5] =	ssyncset.done $0x0  }
0x121: {  	[sflag:s5] =	ssyncadd.s32 $0xFFFFE000  }
.LBB2_6:
0x122: {  	s0 =	sshll.u32 s28, $0x8  }
0x123: {  	s0 =	sand.u32 $0x3FFFFF00, s0  }
.Ltmp3:
0x124: {  	s1 =	simm.s32 $0x6400;
	s0 =	sadd.s32 $0x100, s0;
	(pc) =	sbr.rel @p0 .LBB2_8-.Ltmp3, $4  }
0x125: {  	[tilespmem:s1], [sflag:$0x1] =	stream.indirect.gather [hbm4b:s4+s15], $0x40, s0, s15, $0xb8;
	[tilespmem:$0xE800] =	vst v63  }
0x126: {  	_ =	swait.ge [sflag:s5], $0x2000  }
0x127: {  	[sflag:s5] =	ssyncset.done $0x0  }
0x128: {  	[sflag:s5] =	ssyncadd.s32 $0xFFFFE000  }
.LBB2_7:
0x129: {  	_ =	swait.ge [sflag:s14], $0x400  }
0x12a: {  	[sflag:s14] =	ssyncset.done $0x0  }
0x12b: {  	[sflag:s14] =	ssyncadd.s32 $0xFFFFFC00  }
0x12c: {  	_ =	swait.ge [sflag:s14], $0x400  }
0x12d: {  	[sflag:s14] =	ssyncset.done $0x0  }
0x12e: {  	[sflag:s14] =	ssyncadd.s32 $0xFFFFFC00  }
0x12f: {  	_ =	swait.ge [sflag:s14], $0x400  }
0x130: {  	[sflag:s14] =	ssyncset.done $0x0  }
0x131: {  	[sflag:s14] =	ssyncadd.s32 $0xFFFFFC00  }
0x132: {  	_ =	swait.ge [sflag:s14], $0x400  }
0x133: {  	[sflag:s14] =	ssyncset.done $0x0  }
0x134: {  	[sflag:s14] =	ssyncadd.s32 $0xFFFFFC00  }
0x135: {  	_ =	swait.ge [sflag:s14], $0x400  }
0x136: {  	[sflag:s14] =	ssyncset.done $0x0  }
0x137: {  	[sflag:s14] =	ssyncadd.s32 $0xFFFFFC00  }
0x138: {  	_ =	swait.ge [sflag:s14], $0x400  }
0x139: {  	[sflag:s14] =	ssyncset.done $0x0  }
0x13a: {  	[sflag:s14] =	ssyncadd.s32 $0xFFFFFC00  }
0x13b: {  	_ =	swait.ge [sflag:s14], $0x400  }
0x13c: {  	[sflag:s14] =	ssyncset.done $0x0  }
0x13d: {  	[sflag:s14] =	ssyncadd.s32 $0xFFFFFC00  }
0x13e: {  	_ =	swait.ge [sflag:s14], $0x400  }
0x13f: {  	[sflag:s14] =	ssyncset.done $0x0  }
0x140: {  	[sflag:s14] =	ssyncadd.s32 $0xFFFFFC00  }
.LBB2_8:
0x141: {  	s0 =	simm.s32 $0x0;
	s1 =	simm.s32 $0x2;
	s30 =	simm.s32 $0x7  }
0x142: {  	v33 =	vmov s0;
	s0 =	simm.s32 $0x1;
	v35 =	vmov s1;
	s1 =	simm.s32 $0x4;
	v38 =	vmov s30  }
0x143: {  	v33 =	vshrl.u32 v33, $0x3;
	v34 =	vmov s0;
	s0 =	simm.s32 $0x3;
	v37 =	vmov s1  }
0x144: {  	s1 =	simm.s32 $0x6;
	v38 =	vshrl.u32 v38, $0x3;
	v35 =	vshrl.u32 v35, $0x3;
	v36 =	vmov s0  }
0x145: {  	v33 =	vshll.u32 v33, v1;
	v40 =	vmov s1;
	v34 =	vshrl.u32 v34, $0x3  }
0x146: {  	s0 =	simm.s32 $0x5;
	v38 =	vshll.u32 v38, v1;
	v37 =	vshrl.u32 v37, $0x3;
	v52 =	vshll.u32 v35, v1  }
0x147: {  	v39 =	vmov s0;
	v36 =	vshrl.u32 v36, $0x3;
	v38 =	vbroadcast v38, $0x0  }
0x148: {  	s30 =	simm.s32 $0x8500;
	v33 =	vbroadcast v33, $0x0;
	v34 =	vshll.u32 v34, v1;
	v52 =	vbroadcast v52, $0x0  }
0x149: {  	v41 =	vld [tilespmem:s30+$0xC0];
	v54 =	vshll.u32 v37, v1;
	v40 =	vshrl.u32 v40, $0x3;
	v42 =	vadd.s32 v29, v38  }
0x14a: {  	v43 =	vld [tilespmem:s30+$0xFFFFFF00];
	v45 =	vbroadcast v34, $0x0;
	v53 =	vshll.u32 v36, v1;
	v44 =	vadd.s32 v0, v33  }
0x14b: {  	v48 =	vld [tilespmem:s30+$0xFFFFFF80];
	v34 =	vbroadcast v54, $0x0;
	v55 =	vshrl.u32 v39, $0x3;
	v49 =	vadd.s32 v9, v52  }
0x14c: {  	v46 =	vld [tilespmem:s30+$0xFFFFFF40];
	v35 =	vbroadcast v53, $0x0;
	v36 =	vshll.u32 v55, v1;
	v47 =	vadd.s32 v5, v45  }
0x14d: {  	v51 =	vld [tilespmem:s30+$0x0];
	v56 =	vshll.u32 v40, v1;
	v53 =	vadd.s32 v17, v34;
	v37 =	vbroadcast v36, $0x0  }
0x14e: {  	v39 =	vld [tilespmem:s30+$0xFFFFFFC0];
	v36 =	vbroadcast v56, $0x0;
	v50 =	vadd.s32 v13, v35;
	[tilespmem:v42+s17+$0x0] =	vst.idx.msk $0xffff, v41  }
0x14f: {  	v59 =	vld [tilespmem:s30+$0x40];
	v60 =	vadd.s32 v21, v37;
	[tilespmem:v44+s17+$0x0] =	vst.idx.msk $0xffff, v43  }
0x150: {  	v61 =	vld [tilespmem:s30+$0x80];
	v62 =	vadd.s32 v25, v36;
	[tilespmem:v49+s17+$0x0] =	vst.idx.msk $0xffff, v48  }
0x151: {  	v58 =	vadd.s32 v30, v38;
	v57 =	vld [tilespmem:s30+$0xD0];
	[tilespmem:v47+s17+$0x0] =	vst.idx.msk $0xffff, v46  }
0x152: {  	v55 =	vadd.s32 v10, v52;
	v54 =	vld [tilespmem:s30+$0xFFFFFF90];
	[tilespmem:v53+s17+$0x0] =	vst.idx.msk $0xffff, v51  }
0x153: {  	v63 =	vadd.s32 v6, v45;
	v47 =	vld [tilespmem:s30+$0xFFFFFF50];
	[tilespmem:v50+s17+$0x0] =	vst.idx.msk $0xffff, v39  }
0x154: {  	v56 =	vadd.s32 v14, v35;
	v50 =	vld [tilespmem:s30+$0xFFFFFFD0];
	[tilespmem:v60+s17+$0x0] =	vst.idx.msk $0xffff, v59  }
0x155: {  	[tilespmem:v62+s17+$0x0] =	vst.idx.msk $0xffff, v61;
	v61 =	vld [tilespmem:s30+$0xFFFFFF10];
	v62 =	vadd.s32 v2, v33  }
0x156: {  	v59 =	vadd.s32 v18, v34;
	[tilespmem:v58+s17+$0x0] =	vst.idx.msk $0xffff, v57;
	v58 =	vld [tilespmem:s30+$0x10]  }
0x157: {  	v57 =	vadd.s32 v31, v38;
	[tilespmem:v55+s17+$0x0] =	vst.idx.msk $0xffff, v54;
	v40 =	vld [tilespmem:s30+$0xE0]  }
0x158: {  	v46 =	vadd.s32 v22, v37;
	v44 =	vld [tilespmem:s30+$0x50];
	[tilespmem:v63+s17+$0x0] =	vst.idx.msk $0xffff, v47  }
0x159: {  	v60 =	vadd.s32 v26, v36;
	v63 =	vld [tilespmem:s30+$0x90];
	[tilespmem:v56+s17+$0x0] =	vst.idx.msk $0xffff, v50  }
0x15a: {  	v51 =	vadd.s32 v7, v45;
	v50 =	vld [tilespmem:s30+$0xFFFFFF60];
	[tilespmem:v62+s17+$0x0] =	vst.idx.msk $0xffff, v61  }
0x15b: {  	v55 =	vld [tilespmem:s30+$0xFFFFFFA0];
	v56 =	vadd.s32 v11, v52;
	[tilespmem:v59+s17+$0x0] =	vst.idx.msk $0xffff, v58  }
0x15c: {  	v58 =	vadd.s32 v15, v35;
	[tilespmem:v57+s17+$0x0] =	vst.idx.msk $0xffff, v40;
	v57 =	vld [tilespmem:s30+$0xFFFFFFE0]  }
0x15d: {  	v38 =	vadd.s32 v32, v38;
	[tilespmem:v46+s17+$0x0] =	vst.idx.msk $0xffff, v44;
	v54 =	vld [tilespmem:s30+$0xF0]  }
0x15e: {  	s1 =	simm.s32 $0x8;
	[tilespmem:v60+s17+$0x0] =	vst.idx.msk $0xffff, v63;
	v59 =	vld [tilespmem:s30+$0x20];
	v60 =	vadd.s32 v19, v34  }
0x15f: {  	v41 =	vadd.s32 v23, v37;
	v63 =	vmov s1;
	s1 =	simm.s32 $0x9;
	v40 =	vld [tilespmem:s30+$0x60];
	[tilespmem:v51+s17+$0x0] =	vst.idx.msk $0xffff, v50  }
0x160: {  	v43 =	vadd.s32 v27, v36;
	v48 =	vadd.s32 v3, v33;
	v53 =	vmov s1;
	s1 =	simm.s32 $0xB;
	v42 =	vld [tilespmem:s30+$0xA0];
	[tilespmem:v56+s17+$0x0] =	vst.idx.msk $0xffff, v55  }
0x161: {  	s0 =	simm.s32 $0xA;
	v52 =	vadd.s32 v12, v52;
	v46 =	vld [tilespmem:s30+$0xFFFFFF20];
	v39 =	vshrl.u32 v63, $0x3;
	v44 =	vmov s1;
	s1 =	simm.s32 $0xD;
	[tilespmem:v58+s17+$0x0] =	vst.idx.msk $0xffff, v57  }
0x162: {  	v51 =	vadd.s32 v8, v45;
	v49 =	vld [tilespmem:s30+$0xFFFFFF70];
	[tilespmem:v38+s17+$0x0] =	vst.idx.msk $0xffff, v54;
	v54 =	vmov s0;
	s0 =	simm.s32 $0xC;
	v38 =	vmov s1;
	s1 =	simm.s32 $0xE  }
0x163: {  	s31 =	simm.s32 $0x10;
	v45 =	vshll.u32 v39, v1;
	v50 =	vld [tilespmem:s30+$0xFFFFFFB0];
	[tilespmem:v60+s17+$0x0] =	vst.idx.msk $0xffff, v59;
	v47 =	vmov s0;
	v39 =	vmov s1;
	s1 =	simm.s32 $0xF  }
.LBB2_9:
0x164: {  	p0 =	slt.u32 s31, $0x78;
	v53 =	vshrl.u32 v53, $0x3;
	v55 =	vmov s1;
	v56 =	vld [tilespmem:s30+$0xFFFFFFF0];
	v35 =	vadd.s32 v16, v35;
	[tilespmem:v41+s17+$0x0] =	vst.idx.msk $0xffff, v40  }
0x165: {  	v40 =	vshrl.u32 v54, $0x3;
	v34 =	vadd.s32 v20, v34;
	v41 =	vshrl.u32 v55, $0x3;
	v54 =	vld [tilespmem:s30+$0x30];
	[tilespmem:v43+s17+$0x0] =	vst.idx.msk $0xffff, v42  }
0x166: {  	v37 =	vadd.s32 v24, v37;
	v42 =	vshrl.u32 v44, $0x3;
	v41 =	vshll.u32 v41, v1;
	[tilespmem:v48+s17+$0x0] =	vst.idx.msk $0xffff, v46;
	v43 =	vld [tilespmem:s30+$0x70]  }
0x167: {  	v36 =	vadd.s32 v28, v36;
	v44 =	vshrl.u32 v47, $0x3;
	v41 =	vbroadcast v41, $0x0;
	[tilespmem:v51+s17+$0x0] =	vst.idx.msk $0xffff, v49;
	v46 =	vld [tilespmem:s30+$0xB0]  }
0x168: {  	v47 =	vshll.u32 v53, v1;
	v49 =	vadd.s32 v4, v33;
	v33 =	vbroadcast v45, $0x0;
	v48 =	vld [tilespmem:s30+$0xFFFFFF30];
	[tilespmem:v52+s17+$0x0] =	vst.idx.msk $0xffff, v50;
	s30 =	sadd.s32 $0x200, s30  }
0x169: {  	v40 =	vshll.u32 v40, v1;
	v45 =	vbroadcast v47, $0x0;
	v47 =	vld [tilespmem:s30+$0xC0];
	v50 =	vadd.s32 v29, v41;
	[tilespmem:v35+s17+$0x0] =	vst.idx.msk $0xffff, v56  }
0x16a: {  	v55 =	vbroadcast v40, $0x0;
	v52 =	vadd.s32 v0, v33;
	v35 =	vshll.u32 v42, v1;
	v51 =	vld [tilespmem:s30+$0xFFFFFF00];
	[tilespmem:v34+s17+$0x0] =	vst.idx.msk $0xffff, v54  }
0x16b: {  	v42 =	vadd.s32 v5, v45;
	v35 =	vbroadcast v35, $0x0;
	v34 =	vshll.u32 v44, v1;
	v40 =	vld [tilespmem:s30+$0xFFFFFF40];
	[tilespmem:v37+s17+$0x0] =	vst.idx.msk $0xffff, v43  }
0x16c: {  	v44 =	vadd.s32 v9, v55;
	v34 =	vbroadcast v34, $0x0;
	v37 =	vshrl.u32 v38, $0x3;
	v43 =	vld [tilespmem:s30+$0xFFFFFF80];
	[tilespmem:v36+s17+$0x0] =	vst.idx.msk $0xffff, v46  }
0x16d: {  	v39 =	vshrl.u32 v39, $0x3;
	v46 =	vadd.s32 v13, v35;
	v36 =	vshll.u32 v37, v1;
	v38 =	vld [tilespmem:s30+$0xFFFFFFC0];
	[tilespmem:v49+s17+$0x0] =	vst.idx.msk $0xffff, v48  }
0x16e: {  	v49 =	vadd.s32 v17, v34;
	v37 =	vbroadcast v36, $0x0;
	v36 =	vshll.u32 v39, v1;
	v48 =	vld [tilespmem:s30+$0x0];
	[tilespmem:v50+s17+$0x0] =	vst.idx.msk $0xffff, v47  }
0x16f: {  	v36 =	vbroadcast v36, $0x0;
	v47 =	vadd.s32 v30, v41;
	[tilespmem:v52+s17+$0x0] =	vst.idx.msk $0xffff, v51;
	v39 =	vld [tilespmem:s30+$0xD0]  }
0x170: {  	[tilespmem:v42+s17+$0x0] =	vst.idx.msk $0xffff, v40;
	v40 =	vld [tilespmem:s30+$0x40];
	v42 =	vadd.s32 v21, v37  }
0x171: {  	[tilespmem:v44+s17+$0x0] =	vst.idx.msk $0xffff, v43;
	v43 =	vld [tilespmem:s30+$0x80];
	v44 =	vadd.s32 v25, v36  }
0x172: {  	v51 =	vadd.s32 v6, v45;
	v50 =	vld [tilespmem:s30+$0xFFFFFF50];
	[tilespmem:v46+s17+$0x0] =	vst.idx.msk $0xffff, v38  }
0x173: {  	v46 =	vadd.s32 v10, v55;
	v38 =	vld [tilespmem:s30+$0xFFFFFF90];
	[tilespmem:v49+s17+$0x0] =	vst.idx.msk $0xffff, v48  }
0x174: {  	v49 =	vadd.s32 v14, v35;
	v48 =	vld [tilespmem:s30+$0xFFFFFFD0];
	[tilespmem:v47+s17+$0x0] =	vst.idx.msk $0xffff, v39  }
0x175: {  	[tilespmem:v42+s17+$0x0] =	vst.idx.msk $0xffff, v40;
	v39 =	vld [tilespmem:s30+$0xE0];
	v40 =	vadd.s32 v31, v41  }
0x176: {  	v47 =	vadd.s32 v18, v34;
	v42 =	vld [tilespmem:s30+$0x10];
	[tilespmem:v44+s17+$0x0] =	vst.idx.msk $0xffff, v43  }
0x177: {  	v44 =	vadd.s32 v22, v37;
	[tilespmem:v51+s17+$0x0] =	vst.idx.msk $0xffff, v50;
	v43 =	vld [tilespmem:s30+$0x50]  }
0x178: {  	[tilespmem:v46+s17+$0x0] =	vst.idx.msk $0xffff, v38;
	v38 =	vld [tilespmem:s30+$0x90];
	v46 =	vadd.s32 v26, v36  }
0x179: {  	v51 =	vadd.s32 v2, v33;
	v50 =	vld [tilespmem:s30+$0xFFFFFF10];
	[tilespmem:v49+s17+$0x0] =	vst.idx.msk $0xffff, v48  }
0x17a: {  	v49 =	vadd.s32 v7, v45;
	v48 =	vld [tilespmem:s30+$0xFFFFFF60];
	[tilespmem:v40+s17+$0x0] =	vst.idx.msk $0xffff, v39  }
0x17b: {  	[tilespmem:v47+s17+$0x0] =	vst.idx.msk $0xffff, v42;
	v39 =	vld [tilespmem:s30+$0xF0];
	v47 =	vadd.s32 v32, v41  }
0x17c: {  	v56 =	vadd.s32 v11, v55;
	v52 =	vld [tilespmem:s30+$0xFFFFFFA0];
	[tilespmem:v44+s17+$0x0] =	vst.idx.msk $0xffff, v43  }
0x17d: {  	v58 =	vadd.s32 v15, v35;
	v57 =	vld [tilespmem:s30+$0xFFFFFFE0];
	[tilespmem:v46+s17+$0x0] =	vst.idx.msk $0xffff, v38  }
0x17e: {  	v60 =	vadd.s32 v19, v34;
	[tilespmem:v51+s17+$0x0] =	vst.idx.msk $0xffff, v50;
	v59 =	vld [tilespmem:s30+$0x20]  }
.Ltmp4:
0x17f: {  	s0 =	sadd.s32 $0x1, s31;
	v41 =	vadd.s32 v23, v37;
	v38 =	vmov s31;
	[tilespmem:v49+s17+$0x0] =	vst.idx.msk $0xffff, v48;
	v40 =	vld [tilespmem:s30+$0x60];
	(pc) =	sbr.rel @p0 .LBB2_9-.Ltmp4, $4  }
0x180: {  	s1 =	sadd.s32 $0x3, s31;
	v53 =	vmov s0;
	s0 =	sadd.s32 $0x2, s31;
	v43 =	vadd.s32 v27, v36;
	v50 =	vshrl.u32 v38, $0x3;
	v42 =	vld [tilespmem:s30+$0xA0];
	[tilespmem:v47+s17+$0x0] =	vst.idx.msk $0xffff, v39  }
0x181: {  	v54 =	vmov s0;
	s0 =	sadd.s32 $0x4, s31;
	v44 =	vmov s1;
	s1 =	sadd.s32 $0x5, s31;
	v48 =	vadd.s32 v3, v33;
	v46 =	vld [tilespmem:s30+$0xFFFFFF20];
	[tilespmem:v56+s17+$0x0] =	vst.idx.msk $0xffff, v52  }
0x182: {  	v38 =	vmov s1;
	v51 =	vadd.s32 v8, v45;
	v47 =	vmov s0;
	s0 =	sadd.s32 $0x6, s31;
	v49 =	vld [tilespmem:s30+$0xFFFFFF70];
	[tilespmem:v58+s17+$0x0] =	vst.idx.msk $0xffff, v57  }
0x183: {  	s1 =	sadd.s32 $0x7, s31;
	v45 =	vshll.u32 v50, v1;
	s31 =	sadd.s32 $0x8, s31;
	v39 =	vmov s0;
	v52 =	vadd.s32 v12, v55;
	v50 =	vld [tilespmem:s30+$0xFFFFFFB0];
	[tilespmem:v60+s17+$0x0] =	vst.idx.msk $0xffff, v59  }
0x184: {  	_ =	sdelay $0x2  }
0x185: {  	v53 =	vshrl.u32 v53, $0x3  }
0x186: {  	v55 =	vmov s1;
	v56 =	vld [tilespmem:s30+$0xFFFFFFF0];
	v35 =	vadd.s32 v16, v35;
	[tilespmem:v41+s17+$0x0] =	vst.idx.msk $0xffff, v40;
	v57 =	vshrl.u32 v54, $0x3  }
0x187: {  	v59 =	vld [tilespmem:s30+$0x30];
	v34 =	vadd.s32 v20, v34;
	v60 =	vshrl.u32 v44, $0x3;
	v58 =	vshrl.u32 v55, $0x3;
	[tilespmem:v43+s17+$0x0] =	vst.idx.msk $0xffff, v42  }
0x188: {  	v37 =	vadd.s32 v24, v37;
	v62 =	vshrl.u32 v47, $0x3;
	v61 =	vld [tilespmem:s30+$0x70];
	v41 =	vshll.u32 v58, v1;
	[tilespmem:v48+s17+$0x0] =	vst.idx.msk $0xffff, v46  }
0x189: {  	v36 =	vadd.s32 v28, v36;
	v45 =	vbroadcast v45, $0x0;
	v63 =	vld [tilespmem:s30+$0xB0];
	v41 =	vbroadcast v41, $0x0;
	[tilespmem:v51+s17+$0x0] =	vst.idx.msk $0xffff, v49  }
0x18a: {  	v33 =	vadd.s32 v4, v33;
	s1 =	sadd.s32 $0x200, s30;
	v38 =	vshrl.u32 v38, $0x3;
	v55 =	vshll.u32 v53, v1;
	v48 =	vld [tilespmem:s30+$0xFFFFFF30];
	[tilespmem:v52+s17+$0x0] =	vst.idx.msk $0xffff, v50  }
0x18b: {  	v40 =	vshll.u32 v57, v1;
	v47 =	vbroadcast v55, $0x0;
	v49 =	vld [tilespmem:s1+$0xC0];
	v50 =	vadd.s32 v29, v41;
	[tilespmem:v35+s17+$0x0] =	vst.idx.msk $0xffff, v56  }
0x18c: {  	v42 =	vshll.u32 v60, v1;
	v40 =	vbroadcast v40, $0x0;
	v35 =	vld [tilespmem:s1+$0xFFFFFF00];
	v56 =	vadd.s32 v0, v45;
	[tilespmem:v34+s17+$0x0] =	vst.idx.msk $0xffff, v59  }
0x18d: {  	v57 =	vld [tilespmem:s1+$0xFFFFFF40];
	v44 =	vshll.u32 v62, v1;
	v42 =	vbroadcast v42, $0x0;
	v58 =	vadd.s32 v5, v47;
	[tilespmem:v37+s17+$0x0] =	vst.idx.msk $0xffff, v61  }
0x18e: {  	v38 =	vshll.u32 v38, v1;
	v44 =	vbroadcast v44, $0x0;
	v60 =	vadd.s32 v9, v40;
	v59 =	vld [tilespmem:s1+$0xFFFFFF80];
	[tilespmem:v36+s17+$0x0] =	vst.idx.msk $0xffff, v63  }
0x18f: {  	v38 =	vbroadcast v38, $0x0;
	v62 =	vadd.s32 v13, v42;
	v61 =	vld [tilespmem:s1+$0xFFFFFFC0];
	[tilespmem:v33+s17+$0x0] =	vst.idx.msk $0xffff, v48  }
0x190: {  	v39 =	vshrl.u32 v39, $0x3;
	v63 =	vadd.s32 v17, v44;
	v33 =	vld [tilespmem:s1+$0x0];
	[tilespmem:v50+s17+$0x0] =	vst.idx.msk $0xffff, v49  }
0x191: {  	v39 =	vshll.u32 v39, v1;
	v34 =	vld [tilespmem:s1+$0x40];
	[tilespmem:v56+s17+$0x0] =	vst.idx.msk $0xffff, v35;
	v56 =	vadd.s32 v21, v38  }
0x192: {  	[tilespmem:v58+s17+$0x0] =	vst.idx.msk $0xffff, v57;
	v35 =	vbroadcast v39, $0x0;
	v49 =	vadd.s32 v30, v41;
	v39 =	vld [tilespmem:s1+$0xD0]  }
0x193: {  	[tilespmem:v60+s17+$0x0] =	vst.idx.msk $0xffff, v59;
	v59 =	vld [tilespmem:s1+$0xFFFFFF50];
	v60 =	vadd.s32 v6, v47  }
0x194: {  	v57 =	vld [tilespmem:s1+$0x80];
	[tilespmem:v62+s17+$0x0] =	vst.idx.msk $0xffff, v61;
	v58 =	vadd.s32 v25, v35  }
0x195: {  	v61 =	vld [tilespmem:s1+$0xFFFFFF90];
	v62 =	vadd.s32 v10, v40;
	[tilespmem:v63+s17+$0x0] =	vst.idx.msk $0xffff, v33  }
0x196: {  	v33 =	vld [tilespmem:s1+$0xFFFFFFD0];
	v63 =	vadd.s32 v14, v42;
	[tilespmem:v56+s17+$0x0] =	vst.idx.msk $0xffff, v34  }
0x197: {  	v56 =	vadd.s32 v18, v44;
	[tilespmem:v49+s17+$0x0] =	vst.idx.msk $0xffff, v39;
	v49 =	vld [tilespmem:s1+$0x10]  }
0x198: {  	[tilespmem:v60+s17+$0x0] =	vst.idx.msk $0xffff, v59;
	v39 =	vadd.s32 v31, v41;
	v34 =	vld [tilespmem:s1+$0xE0]  }
0x199: {  	[tilespmem:v58+s17+$0x0] =	vst.idx.msk $0xffff, v57;
	v57 =	vld [tilespmem:s1+$0x50];
	v58 =	vadd.s32 v22, v38  }
0x19a: {  	[tilespmem:v62+s17+$0x0] =	vst.idx.msk $0xffff, v61;
	v61 =	vld [tilespmem:s1+$0xFFFFFF10];
	v62 =	vadd.s32 v2, v45  }
0x19b: {  	v60 =	vadd.s32 v26, v35;
	v59 =	vld [tilespmem:s1+$0x90];
	[tilespmem:v63+s17+$0x0] =	vst.idx.msk $0xffff, v33  }
0x19c: {  	v55 =	vadd.s32 v11, v40;
	v54 =	vadd.s32 v32, v41;
	v41 =	vld [tilespmem:s1+$0xFFFFFFA0];
	[tilespmem:v56+s17+$0x0] =	vst.idx.msk $0xffff, v49  }
0x19d: {  	v53 =	vadd.s32 v7, v47;
	v63 =	vld [tilespmem:s1+$0xFFFFFF60];
	[tilespmem:v39+s17+$0x0] =	vst.idx.msk $0xffff, v34  }
0x19e: {  	v56 =	vld [tilespmem:s1+$0xFFFFFFE0];
	[tilespmem:v58+s17+$0x0] =	vst.idx.msk $0xffff, v57;
	v57 =	vadd.s32 v15, v42  }
0x19f: {  	[tilespmem:v62+s17+$0x0] =	vst.idx.msk $0xffff, v61;
	v34 =	vld [tilespmem:s1+$0xF0]  }
0x1a0: {  	v58 =	vld [tilespmem:s1+$0x20];
	[tilespmem:v60+s17+$0x0] =	vst.idx.msk $0xffff, v59;
	v59 =	vadd.s32 v19, v44  }
0x1a1: {  	v61 =	vadd.s32 v23, v38;
	[tilespmem:v55+s17+$0x0] =	vst.idx.msk $0xffff, v41;
	v60 =	vld [tilespmem:s1+$0x60]  }
0x1a2: {  	[tilespmem:v53+s17+$0x0] =	vst.idx.msk $0xffff, v63;
	v63 =	vadd.s32 v27, v35;
	v62 =	vld [tilespmem:s1+$0xA0]  }
0x1a3: {  	v47 =	vadd.s32 v8, v47;
	v55 =	vld [tilespmem:s1+$0xFFFFFF70];
	[tilespmem:v57+s17+$0x0] =	vst.idx.msk $0xffff, v56  }
0x1a4: {  	v53 =	vld [tilespmem:s1+$0xFFFFFF20];
	[tilespmem:v54+s17+$0x0] =	vst.idx.msk $0xffff, v34;
	v54 =	vadd.s32 v3, v45  }
0x1a5: {  	v40 =	vadd.s32 v12, v40;
	v56 =	vld [tilespmem:s1+$0xFFFFFFB0];
	[tilespmem:v59+s17+$0x0] =	vst.idx.msk $0xffff, v58  }
0x1a6: {  	v42 =	vadd.s32 v16, v42;
	v57 =	vld [tilespmem:s1+$0xFFFFFFF0];
	[tilespmem:v61+s17+$0x0] =	vst.idx.msk $0xffff, v60  }
0x1a7: {  	v59 =	vadd.s32 v20, v44;
	v58 =	vld [tilespmem:s1+$0x30];
	[tilespmem:v63+s17+$0x0] =	vst.idx.msk $0xffff, v62  }
0x1a8: {  	v38 =	vadd.s32 v24, v38;
	v60 =	vld [tilespmem:s1+$0x70];
	[tilespmem:v47+s17+$0x0] =	vst.idx.msk $0xffff, v55  }
0x1a9: {  	v35 =	vadd.s32 v28, v35;
	v61 =	vld [tilespmem:s1+$0xB0];
	[tilespmem:v54+s17+$0x0] =	vst.idx.msk $0xffff, v53  }
0x1aa: {  	v63 =	vadd.s32 v4, v45;
	[tilespmem:v40+s17+$0x0] =	vst.idx.msk $0xffff, v56;
	v62 =	vld [tilespmem:s1+$0xFFFFFF30]  }
0x1ab: {  	[tilespmem:v42+s17+$0x0] =	vst.idx.msk $0xffff, v57  }
0x1ac: {  	s0 =	sshll.u32 s29, $0x12;
	[tilespmem:v59+s17+$0x0] =	vst.idx.msk $0xffff, v58  }
0x1ad: {  	s0 =	sor.u32 s6, s0;
	[tilespmem:v38+s17+$0x0] =	vst.idx.msk $0xffff, v60  }
0x1ae: {  	s29 =	sshrl.u32 s0, $0x3;
	[tilespmem:v35+s17+$0x0] =	vst.idx.msk $0xffff, v61  }
0x1af: {  	s0 =	sadd.s32 s2, s29;
	[tilespmem:v63+s17+$0x0] =	vst.idx.msk $0xffff, v62  }
0x1b0: {  	[hbm4b:s0+s3] =	stream.linear.scatter [tilespmem:s17], [sflag:$0x4], $0x80, $0x38;
	[tilespmem:$0xE800] =	vst v63  }
0x1b1: {  	s31 =	simm.s32 $0xC688;
	s1 =	sadd.s32 $0x10, s0  }
0x1b2: {  	[hbm4b:s1+s3] =	stream.linear.scatter [tilespmem:s31], [sflag:$0x4], $0x80, $0x38;
	[tilespmem:$0xE800] =	vst v63  }
0x1b3: {  	s1 =	sadd.s32 $0x20, s0;
	s31 =	simm.s32 $0xC710  }
0x1b4: {  	[hbm4b:s1+s3] =	stream.linear.scatter [tilespmem:s31], [sflag:$0x4], $0x80, $0x38;
	[tilespmem:$0xE800] =	vst v63  }
0x1b5: {  	s1 =	sadd.s32 $0x30, s0;
	s31 =	simm.s32 $0xC798  }
0x1b6: {  	[hbm4b:s1+s3] =	stream.linear.scatter [tilespmem:s31], [sflag:$0x4], $0x80, $0x38;
	[tilespmem:$0xE800] =	vst v63  }
0x1b7: {  	s1 =	sadd.s32 $0x40, s0;
	s31 =	simm.s32 $0xC820  }
0x1b8: {  	[hbm4b:s1+s3] =	stream.linear.scatter [tilespmem:s31], [sflag:$0x4], $0x80, $0x38;
	[tilespmem:$0xE800] =	vst v63  }
0x1b9: {  	s1 =	sadd.s32 $0x50, s0;
	s31 =	simm.s32 $0xC8A8  }
0x1ba: {  	[hbm4b:s1+s3] =	stream.linear.scatter [tilespmem:s31], [sflag:$0x4], $0x80, $0x38;
	[tilespmem:$0xE800] =	vst v63  }
0x1bb: {  	s1 =	sadd.s32 $0x60, s0;
	s31 =	simm.s32 $0xC930  }
0x1bc: {  	[hbm4b:s1+s3] =	stream.linear.scatter [tilespmem:s31], [sflag:$0x4], $0x80, $0x38;
	[tilespmem:$0xE800] =	vst v63  }
0x1bd: {  	s0 =	sadd.s32 $0x70, s0;
	s31 =	simm.s32 $0xC9B8  }
0x1be: {  	[hbm4b:s0+s3] =	stream.linear.scatter [tilespmem:s31], [sflag:$0x4], $0x80, $0x38;
	[tilespmem:$0xE800] =	vst v63  }
0x1bf: {  	s30 =	simm.s32 $0xCA40;
	s0 =	sadd.s32 s29, s7  }
0x1c0: {  	[hbm4b:s0+s3] =	stream.linear.scatter [tilespmem:s30], [sflag:$0x4], $0x80, $0x38;
	[tilespmem:$0xE800] =	vst v63  }
0x1c1: {  	s31 =	simm.s32 $0xCAC8;
	s1 =	sadd.s32 $0x10, s0  }
0x1c2: {  	[hbm4b:s1+s3] =	stream.linear.scatter [tilespmem:s31], [sflag:$0x4], $0x80, $0x38;
	[tilespmem:$0xE800] =	vst v63  }
0x1c3: {  	s1 =	sadd.s32 $0x20, s0;
	s31 =	simm.s32 $0xCB50  }
0x1c4: {  	[hbm4b:s1+s3] =	stream.linear.scatter [tilespmem:s31], [sflag:$0x4], $0x80, $0x38;
	[tilespmem:$0xE800] =	vst v63  }
0x1c5: {  	s1 =	sadd.s32 $0x30, s0;
	s31 =	simm.s32 $0xCBD8  }
0x1c6: {  	[hbm4b:s1+s3] =	stream.linear.scatter [tilespmem:s31], [sflag:$0x4], $0x80, $0x38;
	[tilespmem:$0xE800] =	vst v63  }
0x1c7: {  	s1 =	sadd.s32 $0x40, s0;
	s31 =	simm.s32 $0xCC60  }
0x1c8: {  	[hbm4b:s1+s3] =	stream.linear.scatter [tilespmem:s31], [sflag:$0x4], $0x80, $0x38;
	[tilespmem:$0xE800] =	vst v63  }
0x1c9: {  	s1 =	sadd.s32 $0x50, s0;
	s31 =	simm.s32 $0xCCE8  }
0x1ca: {  	[hbm4b:s1+s3] =	stream.linear.scatter [tilespmem:s31], [sflag:$0x4], $0x80, $0x38;
	[tilespmem:$0xE800] =	vst v63  }
0x1cb: {  	s1 =	sadd.s32 $0x60, s0;
	s31 =	simm.s32 $0xCD70  }
0x1cc: {  	[hbm4b:s1+s3] =	stream.linear.scatter [tilespmem:s31], [sflag:$0x4], $0x80, $0x38;
	[tilespmem:$0xE800] =	vst v63  }
0x1cd: {  	s0 =	sadd.s32 $0x70, s0;
	s31 =	simm.s32 $0xCDF8  }
0x1ce: {  	[hbm4b:s0+s3] =	stream.linear.scatter [tilespmem:s31], [sflag:$0x4], $0x80, $0x38;
	[tilespmem:$0xE800] =	vst v63  }
0x1cf: {  	s30 =	simm.s32 $0xCE80;
	s0 =	sadd.s32 s29, s8  }
0x1d0: {  	[hbm4b:s0+s3] =	stream.linear.scatter [tilespmem:s30], [sflag:$0x4], $0x80, $0x38;
	[tilespmem:$0xE800] =	vst v63  }
0x1d1: {  	s31 =	simm.s32 $0xCF08;
	s1 =	sadd.s32 $0x10, s0  }
0x1d2: {  	[hbm4b:s1+s3] =	stream.linear.scatter [tilespmem:s31], [sflag:$0x4], $0x80, $0x38;
	[tilespmem:$0xE800] =	vst v63  }
0x1d3: {  	s1 =	sadd.s32 $0x20, s0;
	s31 =	simm.s32 $0xCF90  }
0x1d4: {  	[hbm4b:s1+s3] =	stream.linear.scatter [tilespmem:s31], [sflag:$0x4], $0x80, $0x38;
	[tilespmem:$0xE800] =	vst v63  }
0x1d5: {  	s1 =	sadd.s32 $0x30, s0;
	s31 =	simm.s32 $0xD018  }
0x1d6: {  	[hbm4b:s1+s3] =	stream.linear.scatter [tilespmem:s31], [sflag:$0x4], $0x80, $0x38;
	[tilespmem:$0xE800] =	vst v63  }
0x1d7: {  	s1 =	sadd.s32 $0x40, s0;
	s31 =	simm.s32 $0xD0A0  }
0x1d8: {  	[hbm4b:s1+s3] =	stream.linear.scatter [tilespmem:s31], [sflag:$0x4], $0x80, $0x38;
	[tilespmem:$0xE800] =	vst v63  }
0x1d9: {  	s1 =	sadd.s32 $0x50, s0;
	s31 =	simm.s32 $0xD128  }
0x1da: {  	[hbm4b:s1+s3] =	stream.linear.scatter [tilespmem:s31], [sflag:$0x4], $0x80, $0x38;
	[tilespmem:$0xE800] =	vst v63  }
0x1db: {  	s1 =	sadd.s32 $0x60, s0;
	s31 =	simm.s32 $0xD1B0  }
0x1dc: {  	[hbm4b:s1+s3] =	stream.linear.scatter [tilespmem:s31], [sflag:$0x4], $0x80, $0x38;
	[tilespmem:$0xE800] =	vst v63  }
0x1dd: {  	s0 =	sadd.s32 $0x70, s0;
	s31 =	simm.s32 $0xD238  }
0x1de: {  	[hbm4b:s0+s3] =	stream.linear.scatter [tilespmem:s31], [sflag:$0x4], $0x80, $0x38;
	[tilespmem:$0xE800] =	vst v63  }
0x1df: {  	s30 =	simm.s32 $0xD2C0;
	s0 =	sadd.s32 s29, s9  }
0x1e0: {  	[hbm4b:s0+s3] =	stream.linear.scatter [tilespmem:s30], [sflag:$0x4], $0x80, $0x38;
	[tilespmem:$0xE800] =	vst v63  }
0x1e1: {  	s31 =	simm.s32 $0xD348;
	s1 =	sadd.s32 $0x10, s0  }
0x1e2: {  	[hbm4b:s1+s3] =	stream.linear.scatter [tilespmem:s31], [sflag:$0x4], $0x80, $0x38;
	[tilespmem:$0xE800] =	vst v63  }
0x1e3: {  	s1 =	sadd.s32 $0x20, s0;
	s31 =	simm.s32 $0xD3D0  }
0x1e4: {  	[hbm4b:s1+s3] =	stream.linear.scatter [tilespmem:s31], [sflag:$0x4], $0x80, $0x38;
	[tilespmem:$0xE800] =	vst v63  }
0x1e5: {  	s1 =	sadd.s32 $0x30, s0;
	s31 =	simm.s32 $0xD458  }
0x1e6: {  	[hbm4b:s1+s3] =	stream.linear.scatter [tilespmem:s31], [sflag:$0x4], $0x80, $0x38;
	[tilespmem:$0xE800] =	vst v63  }
0x1e7: {  	s1 =	sadd.s32 $0x40, s0;
	s31 =	simm.s32 $0xD4E0  }
0x1e8: {  	[hbm4b:s1+s3] =	stream.linear.scatter [tilespmem:s31], [sflag:$0x4], $0x80, $0x38;
	[tilespmem:$0xE800] =	vst v63  }
0x1e9: {  	s1 =	sadd.s32 $0x50, s0;
	s31 =	simm.s32 $0xD568  }
0x1ea: {  	[hbm4b:s1+s3] =	stream.linear.scatter [tilespmem:s31], [sflag:$0x4], $0x80, $0x38;
	[tilespmem:$0xE800] =	vst v63  }
0x1eb: {  	s1 =	sadd.s32 $0x60, s0;
	s31 =	simm.s32 $0xD5F0  }
0x1ec: {  	[hbm4b:s1+s3] =	stream.linear.scatter [tilespmem:s31], [sflag:$0x4], $0x80, $0x38;
	[tilespmem:$0xE800] =	vst v63  }
0x1ed: {  	s0 =	sadd.s32 $0x70, s0;
	s31 =	simm.s32 $0xD678  }
0x1ee: {  	[hbm4b:s0+s3] =	stream.linear.scatter [tilespmem:s31], [sflag:$0x4], $0x80, $0x38;
	[tilespmem:$0xE800] =	vst v63  }
0x1ef: {  	s30 =	simm.s32 $0xD700;
	s0 =	sadd.s32 s29, s10  }
0x1f0: {  	[hbm4b:s0+s3] =	stream.linear.scatter [tilespmem:s30], [sflag:$0x4], $0x80, $0x38;
	[tilespmem:$0xE800] =	vst v63  }
0x1f1: {  	s31 =	simm.s32 $0xD788;
	s1 =	sadd.s32 $0x10, s0  }
0x1f2: {  	[hbm4b:s1+s3] =	stream.linear.scatter [tilespmem:s31], [sflag:$0x4], $0x80, $0x38;
	[tilespmem:$0xE800] =	vst v63  }
0x1f3: {  	s1 =	sadd.s32 $0x20, s0;
	s31 =	simm.s32 $0xD810  }
0x1f4: {  	[hbm4b:s1+s3] =	stream.linear.scatter [tilespmem:s31], [sflag:$0x4], $0x80, $0x38;
	[tilespmem:$0xE800] =	vst v63  }
0x1f5: {  	s1 =	sadd.s32 $0x30, s0;
	s31 =	simm.s32 $0xD898  }
0x1f6: {  	[hbm4b:s1+s3] =	stream.linear.scatter [tilespmem:s31], [sflag:$0x4], $0x80, $0x38;
	[tilespmem:$0xE800] =	vst v63  }
0x1f7: {  	s1 =	sadd.s32 $0x40, s0;
	s31 =	simm.s32 $0xD920  }
0x1f8: {  	[hbm4b:s1+s3] =	stream.linear.scatter [tilespmem:s31], [sflag:$0x4], $0x80, $0x38;
	[tilespmem:$0xE800] =	vst v63  }
0x1f9: {  	s1 =	sadd.s32 $0x50, s0;
	s31 =	simm.s32 $0xD9A8  }
0x1fa: {  	[hbm4b:s1+s3] =	stream.linear.scatter [tilespmem:s31], [sflag:$0x4], $0x80, $0x38;
	[tilespmem:$0xE800] =	vst v63  }
0x1fb: {  	s1 =	sadd.s32 $0x60, s0;
	s31 =	simm.s32 $0xDA30  }
0x1fc: {  	[hbm4b:s1+s3] =	stream.linear.scatter [tilespmem:s31], [sflag:$0x4], $0x80, $0x38;
	[tilespmem:$0xE800] =	vst v63  }
0x1fd: {  	s0 =	sadd.s32 $0x70, s0;
	s31 =	simm.s32 $0xDAB8  }
0x1fe: {  	[hbm4b:s0+s3] =	stream.linear.scatter [tilespmem:s31], [sflag:$0x4], $0x80, $0x38;
	[tilespmem:$0xE800] =	vst v63  }
0x1ff: {  	s30 =	simm.s32 $0xDB40;
	s0 =	sadd.s32 s29, s11  }
0x200: {  	[hbm4b:s0+s3] =	stream.linear.scatter [tilespmem:s30], [sflag:$0x4], $0x80, $0x38;
	[tilespmem:$0xE800] =	vst v63  }
0x201: {  	s31 =	simm.s32 $0xDBC8;
	s1 =	sadd.s32 $0x10, s0  }
0x202: {  	[hbm4b:s1+s3] =	stream.linear.scatter [tilespmem:s31], [sflag:$0x4], $0x80, $0x38;
	[tilespmem:$0xE800] =	vst v63  }
0x203: {  	s1 =	sadd.s32 $0x20, s0;
	s31 =	simm.s32 $0xDC50  }
0x204: {  	[hbm4b:s1+s3] =	stream.linear.scatter [tilespmem:s31], [sflag:$0x4], $0x80, $0x38;
	[tilespmem:$0xE800] =	vst v63  }
0x205: {  	s1 =	sadd.s32 $0x30, s0;
	s31 =	simm.s32 $0xDCD8  }
0x206: {  	[hbm4b:s1+s3] =	stream.linear.scatter [tilespmem:s31], [sflag:$0x4], $0x80, $0x38;
	[tilespmem:$0xE800] =	vst v63  }
0x207: {  	s1 =	sadd.s32 $0x40, s0;
	s31 =	simm.s32 $0xDD60  }
0x208: {  	[hbm4b:s1+s3] =	stream.linear.scatter [tilespmem:s31], [sflag:$0x4], $0x80, $0x38;
	[tilespmem:$0xE800] =	vst v63  }
0x209: {  	s1 =	sadd.s32 $0x50, s0;
	s31 =	simm.s32 $0xDDE8  }
0x20a: {  	[hbm4b:s1+s3] =	stream.linear.scatter [tilespmem:s31], [sflag:$0x4], $0x80, $0x38;
	[tilespmem:$0xE800] =	vst v63  }
0x20b: {  	s1 =	sadd.s32 $0x60, s0;
	s31 =	simm.s32 $0xDE70  }
0x20c: {  	[hbm4b:s1+s3] =	stream.linear.scatter [tilespmem:s31], [sflag:$0x4], $0x80, $0x38;
	[tilespmem:$0xE800] =	vst v63  }
0x20d: {  	s0 =	sadd.s32 $0x70, s0;
	s31 =	simm.s32 $0xDEF8  }
0x20e: {  	[hbm4b:s0+s3] =	stream.linear.scatter [tilespmem:s31], [sflag:$0x4], $0x80, $0x38;
	[tilespmem:$0xE800] =	vst v63  }
0x20f: {  	s30 =	simm.s32 $0xDF80;
	s0 =	sadd.s32 s29, s12  }
0x210: {  	[hbm4b:s0+s3] =	stream.linear.scatter [tilespmem:s30], [sflag:$0x4], $0x80, $0x38;
	[tilespmem:$0xE800] =	vst v63  }
0x211: {  	s31 =	simm.s32 $0xE008;
	s1 =	sadd.s32 $0x10, s0  }
0x212: {  	[hbm4b:s1+s3] =	stream.linear.scatter [tilespmem:s31], [sflag:$0x4], $0x80, $0x38;
	[tilespmem:$0xE800] =	vst v63  }
0x213: {  	s1 =	sadd.s32 $0x20, s0;
	s31 =	simm.s32 $0xE090  }
0x214: {  	[hbm4b:s1+s3] =	stream.linear.scatter [tilespmem:s31], [sflag:$0x4], $0x80, $0x38;
	[tilespmem:$0xE800] =	vst v63  }
0x215: {  	s1 =	sadd.s32 $0x30, s0;
	s31 =	simm.s32 $0xE118  }
0x216: {  	[hbm4b:s1+s3] =	stream.linear.scatter [tilespmem:s31], [sflag:$0x4], $0x80, $0x38;
	[tilespmem:$0xE800] =	vst v63  }
0x217: {  	s1 =	sadd.s32 $0x40, s0;
	s31 =	simm.s32 $0xE1A0  }
0x218: {  	[hbm4b:s1+s3] =	stream.linear.scatter [tilespmem:s31], [sflag:$0x4], $0x80, $0x38;
	[tilespmem:$0xE800] =	vst v63  }
0x219: {  	s1 =	sadd.s32 $0x50, s0;
	s31 =	simm.s32 $0xE228  }
0x21a: {  	[hbm4b:s1+s3] =	stream.linear.scatter [tilespmem:s31], [sflag:$0x4], $0x80, $0x38;
	[tilespmem:$0xE800] =	vst v63  }
0x21b: {  	s1 =	sadd.s32 $0x60, s0;
	s31 =	simm.s32 $0xE2B0  }
0x21c: {  	[hbm4b:s1+s3] =	stream.linear.scatter [tilespmem:s31], [sflag:$0x4], $0x80, $0x38;
	[tilespmem:$0xE800] =	vst v63  }
0x21d: {  	s0 =	sadd.s32 $0x70, s0;
	s31 =	simm.s32 $0xE338  }
0x21e: {  	[hbm4b:s0+s3] =	stream.linear.scatter [tilespmem:s31], [sflag:$0x4], $0x80, $0x38;
	[tilespmem:$0xE800] =	vst v63  }
0x21f: {  	s0 =	sadd.s32 s29, s13  }
0x220: {  	[hbm4b:s0+s3] =	stream.linear.scatter [tilespmem:s16], [sflag:$0x4], $0x80, $0x38;
	[tilespmem:$0xE800] =	vst v63  }
0x221: {  	s29 =	sadd.s32 $0x10, s0  }
0x222: {  	[hbm4b:s29+s3] =	stream.linear.scatter [tilespmem:s18], [sflag:$0x4], $0x80, $0x38;
	[tilespmem:$0xE800] =	vst v63  }
0x223: {  	s30 =	sadd.s32 $0x20, s0  }
0x224: {  	[hbm4b:s30+s3] =	stream.linear.scatter [tilespmem:s19], [sflag:$0x4], $0x80, $0x38;
	[tilespmem:$0xE800] =	vst v63  }
0x225: {  	s31 =	sadd.s32 $0x30, s0  }
0x226: {  	[hbm4b:s31+s3] =	stream.linear.scatter [tilespmem:s22], [sflag:$0x4], $0x80, $0x38;
	[tilespmem:$0xE800] =	vst v63  }
0x227: {  	s28 =	sadd.s32 $0x1, s28;
	s29 =	sadd.s32 $0x40, s0  }
0x228: {  	[hbm4b:s29+s3] =	stream.linear.scatter [tilespmem:s23], [sflag:$0x4], $0x80, $0x38;
	[tilespmem:$0xE800] =	vst v63  }
0x229: {  	p0 =	sne.s32 s28, $0x64;
	s30 =	sadd.s32 $0x50, s0  }
0x22a: {  	[hbm4b:s30+s3] =	stream.linear.scatter [tilespmem:s24], [sflag:$0x4], $0x80, $0x38;
	[tilespmem:$0xE800] =	vst v63  }
.Ltmp5:
0x22b: {  	_ = 	snop;
	(pc) =	sbr.rel @p0 .LBB2_2-.Ltmp5, $4  }
0x22c: {  	s31 =	sadd.s32 $0x60, s0  }
0x22d: {  	[hbm4b:s31+s3] =	stream.linear.scatter [tilespmem:s25], [sflag:$0x4], $0x80, $0x38;
	[tilespmem:$0xE800] =	vst v63  }
0x22e: {  	s0 =	sadd.s32 $0x70, s0  }
0x22f: {  	[hbm4b:s0+s3] =	stream.linear.scatter [tilespmem:s26], [sflag:$0x4], $0x80, $0x38;
	[tilespmem:$0xE800] =	vst v63  }
0x230: {  	s0 =	simm.s32 $0x3  }
0x231: {  	_ =	swait.ge [sflag:s0], $0x400  }
0x232: {  	[sflag:s0] =	ssyncset.done $0x0  }
0x233: {  	[sflag:s0] =	ssyncadd.s32 $0xFFFFFC00  }
0x234: {  	_ =	swait.ge [sflag:s0], $0x400  }
0x235: {  	[sflag:s0] =	ssyncset.done $0x0  }
0x236: {  	[sflag:s0] =	ssyncadd.s32 $0xFFFFFC00  }
0x237: {  	_ =	swait.ge [sflag:s0], $0x400  }
0x238: {  	[sflag:s0] =	ssyncset.done $0x0  }
0x239: {  	[sflag:s0] =	ssyncadd.s32 $0xFFFFFC00  }
0x23a: {  	_ =	swait.ge [sflag:s0], $0x400  }
0x23b: {  	[sflag:s0] =	ssyncset.done $0x0  }
0x23c: {  	[sflag:s0] =	ssyncadd.s32 $0xFFFFFC00  }
0x23d: {  	_ =	swait.ge [sflag:s0], $0x400  }
0x23e: {  	[sflag:s0] =	ssyncset.done $0x0  }
0x23f: {  	[sflag:s0] =	ssyncadd.s32 $0xFFFFFC00  }
0x240: {  	_ =	swait.ge [sflag:s0], $0x400  }
0x241: {  	[sflag:s0] =	ssyncset.done $0x0  }
0x242: {  	[sflag:s0] =	ssyncadd.s32 $0xFFFFFC00  }
0x243: {  	_ =	swait.ge [sflag:s0], $0x400  }
0x244: {  	[sflag:s0] =	ssyncset.done $0x0  }
0x245: {  	[sflag:s0] =	ssyncadd.s32 $0xFFFFFC00  }
0x246: {  	_ =	swait.ge [sflag:s0], $0x400  }
0x247: {  	[sflag:s0] =	ssyncset.done $0x0  }
0x248: {  	[sflag:s0] =	ssyncadd.s32 $0xFFFFFC00  }
0x249: {  	_ =	swait.ge [sflag:s14], $0x400  }
0x24a: {  	[sflag:s14] =	ssyncset.done $0x0  }
0x24b: {  	[sflag:s14] =	ssyncadd.s32 $0xFFFFFC00  }
0x24c: {  	_ =	swait.ge [sflag:s14], $0x400  }
0x24d: {  	[sflag:s14] =	ssyncset.done $0x0  }
0x24e: {  	[sflag:s14] =	ssyncadd.s32 $0xFFFFFC00  }
0x24f: {  	_ =	swait.ge [sflag:s14], $0x400  }
0x250: {  	[sflag:s14] =	ssyncset.done $0x0  }
0x251: {  	[sflag:s14] =	ssyncadd.s32 $0xFFFFFC00  }
0x252: {  	_ =	swait.ge [sflag:s14], $0x400  }
0x253: {  	[sflag:s14] =	ssyncset.done $0x0  }
0x254: {  	[sflag:s14] =	ssyncadd.s32 $0xFFFFFC00  }
0x255: {  	_ =	swait.ge [sflag:s14], $0x400  }
0x256: {  	[sflag:s14] =	ssyncset.done $0x0  }
0x257: {  	[sflag:s14] =	ssyncadd.s32 $0xFFFFFC00  }
0x258: {  	_ =	swait.ge [sflag:s14], $0x400  }
0x259: {  	[sflag:s14] =	ssyncset.done $0x0  }
0x25a: {  	[sflag:s14] =	ssyncadd.s32 $0xFFFFFC00  }
0x25b: {  	_ =	swait.ge [sflag:s14], $0x400  }
0x25c: {  	[sflag:s14] =	ssyncset.done $0x0  }
0x25d: {  	[sflag:s14] =	ssyncadd.s32 $0xFFFFFC00  }
0x25e: {  	_ =	swait.ge [sflag:s14], $0x400  }
0x25f: {  	s1 =	rddreg [dreg:$0x5]  }
0x260: {  	s31 =	rddreg [dreg:$0x4];
	s1 =	sadd.s32 $0x1, s1  }
0x261: {  	p0 =	sne.s32 s1, s31  }
.Ltmp6:
0x262: {  	_ = 	snop;
	(pc) =	sbr.rel @p0 .LBB2_1-.Ltmp6, $3  }
0x263: {  	_ =	sdelay $0x1  }
0x264: {  	[sflag:s14] =	ssyncset.done $0x0  }
0x265: {  	[sflag:s14] =	ssyncadd.s32 $0xFFFFFC00  }
0x266: {  	_ =	sfence.sel $0x180000  }
0x267: {  	[bflag:$0x0] =	sbarrier.arrive $0xFFFF  }
0x268: {  	_ =	strace $0x90000047  }
0x269: {  	s0 =	stileid.u32;
	[bflag:$0x2] =	sbarrier.arrive $0xFFFF  }
0x26a: {  	p0 =	sne.s32 s0, $0x0;
	s0 =	rddreg [dreg:$0x2]  }
0x26b: {  	s0 =	sadd.s32 @!p0 $0x100000, s0  }
0x26c: {  	[sflag:s0] =	ssyncadd.tile.s32 @!p0 $0x1;
	_ =	shalt  }
.Lfunc_end2:
_tile_overlayer_lowered:
.L_overlay_start_2:
0x26d: {  	(tag) =	ssettag $0x2  }
0x26e: {  	s0 =	rddreg [dreg:$0x0];
	s2 =	stileid.u32  }
0x26f: {  	s1 =	rddreg [dreg:$0x1];
	p0 =	sne.s32 s2, $0x0  }
0x270: {  	s3 =	rddreg [dreg:$0x2];
	[bflag:$0x3] =	sbarrier.arrive $0xFFFF;
	s2 =	simm.s32 @!p0 $0x1C05  }
0x271: {  	[timem:s3], [sflag:s2] =	dma.local @!p0 [hbm:s0], s1  }
0x272: {  	s0 =	simm.s32 @!p0 $0x5  }
0x273: {  	_ =	swait.ge @!p0 [sflag:s0], s1  }
0x274: {  	s1 =	ssub.s32 @!p0 $0x0, s1;
	[sflag:s0] =	ssyncset.done @!p0 $0x0  }
0x275: {  	[sflag:s0] =	ssyncadd.s32 @!p0 s1  }
0x276: {  	[bflag:$0x3] =	sbarrier.arrive $0xFFFF  }
0x277: {  	_ =	shalt  }

</sc_bundles>
